<compile_context>
chip_gen: v7x
topology: tpu7x:2x2x1
jax: 0.10.2.dev20260603
libtpu: 0.0.44.dev20260713+nightly
codegen_flags: <defaults>
</compile_context>

<pallas_src>
import functools

import jax
import jax.numpy as jnp
from jax import lax
from jax.experimental import pallas as pl
from jax.experimental.pallas import tpu as pltpu
from jax.experimental.pallas import tpu_sc as plsc

NC = 2
NS = 16
NW = NC * NS

B = 4096 * 26
D = 64
CHUNK = 256
PER_W = B // NW
NCHUNK = PER_W // CHUNK
NBUF = 4


def _sc_gather(table, idx):
    mesh = plsc.VectorSubcoreMesh(
        core_axis_name="c", subcore_axis_name="s",
        num_cores=NC, num_subcores=NS,
    )

    @functools.partial(
        pl.kernel,
        out_type=jax.ShapeDtypeStruct((B, D), jnp.float32),
        mesh=mesh,
        scratch_types=[
            pltpu.VMEM((NCHUNK, CHUNK), jnp.int32),
            pltpu.VMEM((NBUF, CHUNK, D), jnp.float32),
            pltpu.SemaphoreType.DMA((NBUF,)),
            pltpu.SemaphoreType.DMA((NBUF,)),
        ],
        compiler_params=pltpu.CompilerParams(use_tc_tiling_on_sc=False),
    )
    def k(table_hbm, idx_hbm, out_hbm, idx_v, rows_v, gsem, ssem):
        wid = lax.axis_index("s") * NC + lax.axis_index("c")
        pltpu.sync_copy(idx_hbm.at[wid], idx_v)
        base = wid * PER_W

        def fire_gather(j, b):
            pltpu.async_copy(table_hbm.at[idx_v.at[j]], rows_v.at[b],
                             gsem.at[b])

        for b in range(min(NBUF, NCHUNK)):
            fire_gather(b, b)

        @pl.loop(0, NCHUNK + NBUF - 1 - ((NCHUNK - 1) % NBUF), step=NBUF)
        def _(j0):
            for b in range(NBUF):
                j = j0 + b

                @pl.when(j < NCHUNK)
                def _():
                    pltpu.make_async_copy(table_hbm.at[idx_v.at[j]],
                                          rows_v.at[b], gsem.at[b]).wait()
                    pltpu.async_copy(
                        rows_v.at[b],
                        out_hbm.at[pl.ds(base + j * CHUNK, CHUNK)],
                        ssem.at[b])
                    pltpu.make_async_copy(
                        rows_v.at[b],
                        out_hbm.at[pl.ds(base + j * CHUNK, CHUNK)],
                        ssem.at[b]).wait()

                    nxt = j + NBUF

                    @pl.when(nxt < NCHUNK)
                    def _():
                        fire_gather(nxt, b)

    return k(table, idx)


BB = 128


def _tc_c_body(x_ref, o_ref):
    x = x_ref[...]
    y = x.reshape(BB, 26 * D)
    o_ref[...] = y.T


def _tc_out_relayout(flat):
    return pl.pallas_call(
        _tc_c_body,
        grid=(4096 // BB,),
        in_specs=[pl.BlockSpec((13 * BB, 128), lambda i: (i, 0))],
        out_specs=pl.BlockSpec((26 * D, BB), lambda i: (0, i)),
        out_shape=jax.ShapeDtypeStruct((26 * D, 4096), jnp.float32),
    )(flat)


@jax.jit
def kernel(ents, table):
    idx = ents.astype(jnp.int32).reshape(NW, NCHUNK, CHUNK)
    out = _sc_gather(table, idx)
    res = _tc_out_relayout(out.reshape(53248, 128))
    return res.reshape(26, D, 4096).transpose(2, 0, 1)

# --- scband reference (transcript-rebuilt; emitter-appended) ---
"""Pipeline reference for scband-normal-embs-65051574665462 (READ-ONLY COPY).

The authoritative reference and input builder live on the scoring server;
editing this copy changes nothing except your own understanding.
"""

import jax, jax.numpy as jnp
import numpy as np

NUM_ENTITIES = 100000
EMB_DIM = 64
MEAN = 0.0
VAR = 1.0


def setup_inputs(seed: int = 0) -> dict:
    key = jax.random.key(seed)
    k_idx, k_w = jax.random.split(key)
    ents = jax.random.randint(k_idx, (4096, 26), 0, NUM_ENTITIES, dtype=jnp.int64 if jax.config.jax_enable_x64 else jnp.int32)
    # Normal(mean, var).sample((num_entities, emb_dim)) in torch uses var as the scale arg
    table = MEAN + VAR * jax.random.normal(k_w, (NUM_ENTITIES, EMB_DIM), dtype=jnp.float32)
    return {"ents": ents, "table": table}


def reference(ents, table):
    # nn.Embedding lookup: gather rows of table by ents
    return jnp.take(table, ents, axis=0)

if __name__ == "__main__":
    import jax
    _d = setup_inputs()
    print(jax.jit(kernel)(*tuple(_d.values())))

</pallas_src>

<mosaic_0001>
#map = affine_map<(d0, d1) -> (0, 0)>
#map1 = affine_map<(d0, d1) -> (0, 0, 0)>
module attributes {stable_mosaic.version = 14 : i64} {
  func.func @k(%arg0: i32, %arg1: i32, %arg2: memref<100000x64xf32, #tpu.memory_space<hbm>>, %arg3: memref<32x13x256xi32, #tpu.memory_space<hbm>>, %arg4: memref<106496x64xf32, #tpu.memory_space<hbm>>, %arg5: memref<13x256xi32, #tpu.memory_space<vmem>>, %arg6: memref<4x256x64xf32, #tpu.memory_space<vmem>>, %arg7: memref<4x!tpu.dma_semaphore, #tpu.memory_space<semaphore_mem>>, %arg8: memref<4x!tpu.dma_semaphore, #tpu.memory_space<semaphore_mem>>) attributes {dimension_semantics = [#tpu.dimension_semantics<core_parallel>, #tpu.dimension_semantics<subcore_parallel>], iteration_bounds = array<i64: 2, 16>, scalar_prefetch = 0 : i64, scratch_operands = 4 : i64, tpu.core_type = #tpu.core_type<sc_vector_subcore>, window_params = [{transform_indices = #map}, {transform_indices = #map1}, {transform_indices = #map}]} {
    %mul3A = arith.constant 2 : i32
    %mul3A_0 = arith.muli %arg1, %mul3A : i32
    %add3A = arith.addi %mul3A_0, %arg0 : i32
    "tpu.region"() ({
      %run_scoped3A = tpu.sem_alloc : memref<!tpu.dma_semaphore, #tpu.memory_space<semaphore_mem>>
      %dma_start3A_66 = arith.constant 0 : i32
      %dma_start3A_67 = arith.constant 0 : i32
      %dma_start3A_68 = tpu.memref_slice %arg3[%add3A, %dma_start3A_66, %dma_start3A_67] : memref<32x13x256xi32, #tpu.memory_space<hbm>> -> memref<1x13x256xi32, #tpu.memory_space<hbm>>
      %dma_start3A_69 = tpu.memref_squeeze %dma_start3A_68 : memref<1x13x256xi32, #tpu.memory_space<hbm>> -> memref<13x256xi32, #tpu.memory_space<hbm>>
      %dma_start3A_70 = arith.constant 0 : i32
      %dma_start3A_71 = arith.constant 0 : i32
      %dma_start3A_72 = tpu.memref_slice %arg3[%add3A, %dma_start3A_70, %dma_start3A_71] : memref<32x13x256xi32, #tpu.memory_space<hbm>> -> memref<1x13x256xi32, #tpu.memory_space<hbm>>
      %dma_start3A_73 = tpu.memref_squeeze %dma_start3A_72 : memref<1x13x256xi32, #tpu.memory_space<hbm>> -> memref<13x256xi32, #tpu.memory_space<hbm>>
      tpu.enqueue_dma source(%dma_start3A_73 : memref<13x256xi32, #tpu.memory_space<hbm>>) target(%arg5 : memref<13x256xi32, #tpu.memory_space<vmem>>) target_semaphore(%run_scoped3A : memref<!tpu.dma_semaphore, #tpu.memory_space<semaphore_mem>>)
      %dma_wait3A = arith.constant 0 : i32
      %dma_wait3A_74 = arith.constant 0 : i32
      %dma_wait3A_75 = tpu.memref_slice %arg3[%add3A, %dma_wait3A, %dma_wait3A_74] : memref<32x13x256xi32, #tpu.memory_space<hbm>> -> memref<1x13x256xi32, #tpu.memory_space<hbm>>
      %dma_wait3A_76 = tpu.memref_squeeze %dma_wait3A_75 : memref<1x13x256xi32, #tpu.memory_space<hbm>> -> memref<13x256xi32, #tpu.memory_space<hbm>>
      %dma_wait3A_77 = arith.constant 0 : i32
      %dma_wait3A_78 = arith.constant 0 : i32
      %dma_wait3A_79 = tpu.memref_slice %arg3[%add3A, %dma_wait3A_77, %dma_wait3A_78] : memref<32x13x256xi32, #tpu.memory_space<hbm>> -> memref<1x13x256xi32, #tpu.memory_space<hbm>>
      %dma_wait3A_80 = tpu.memref_squeeze %dma_wait3A_79 : memref<1x13x256xi32, #tpu.memory_space<hbm>> -> memref<13x256xi32, #tpu.memory_space<hbm>>
      tpu.wait_dma2 semaphore(%run_scoped3A : memref<!tpu.dma_semaphore, #tpu.memory_space<semaphore_mem>>) src(%dma_wait3A_80 : memref<13x256xi32, #tpu.memory_space<hbm>>) dst(%arg5 : memref<13x256xi32, #tpu.memory_space<vmem>>)
      tpu.yield
    }) : () -> ()
    %mul3A_1 = arith.constant 3328 : i32
    %mul3A_2 = arith.muli %add3A, %mul3A_1 : i32
    %dma_start3A = arith.constant 0 : i32
    %dma_start3A_3 = arith.constant 0 : i32
    %dma_start3A_4 = arith.constant 0 : i32
    %dma_start3A_5 = arith.constant 0 : i32
    %dma_start3A_6 = arith.constant 0 : i32
    %dma_start3A_7 = tpu.memref_slice %arg6[%dma_start3A_3, %dma_start3A_5, %dma_start3A_6] : memref<4x256x64xf32, #tpu.memory_space<vmem>> -> memref<1x256x64xf32, #tpu.memory_space<vmem>>
    %dma_start3A_8 = tpu.memref_squeeze %dma_start3A_7 : memref<1x256x64xf32, #tpu.memory_space<vmem>> -> memref<256x64xf32, #tpu.memory_space<vmem>>
    %dma_start3A_9 = arith.constant 0 : i32
    %dma_start3A_10 = tpu.memref_slice %arg5[%dma_start3A, %dma_start3A_9] : memref<13x256xi32, #tpu.memory_space<vmem>> -> memref<1x256xi32, #tpu.memory_space<vmem>>
    %dma_start3A_11 = tpu.memref_squeeze %dma_start3A_10 : memref<1x256xi32, #tpu.memory_space<vmem>> -> memref<256xi32, #tpu.memory_space<vmem>>
    %dma_start3A_12 = arith.constant 0 : i32
    %dma_start3A_13 = arith.constant 0 : i32
    %dma_start3A_14 = tpu.memref_slice %arg2[%dma_start3A_12, %dma_start3A_13] : memref<100000x64xf32, #tpu.memory_space<hbm>> -> memref<100000x64xf32, #tpu.memory_space<hbm>>
    %dma_start3A_15 = tpu.memref_slice %arg7[%dma_start3A_4] : memref<4x!tpu.dma_semaphore, #tpu.memory_space<semaphore_mem>> -> memref<1x!tpu.dma_semaphore, #tpu.memory_space<semaphore_mem>>
    %dma_start3A_16 = tpu.memref_squeeze %dma_start3A_15 : memref<1x!tpu.dma_semaphore, #tpu.memory_space<semaphore_mem>> -> memref<!tpu.dma_semaphore, #tpu.memory_space<semaphore_mem>>
    tpu.enqueue_indirect_dma source(%dma_start3A_14 : memref<100000x64xf32, #tpu.memory_space<hbm>>) target(%dma_start3A_8 : memref<256x64xf32, #tpu.memory_space<vmem>>) offsets(%dma_start3A_11 : memref<256xi32, #tpu.memory_space<vmem>>) semaphore(%dma_start3A_16 : memref<!tpu.dma_semaphore, #tpu.memory_space<semaphore_mem>>)
    %dma_start3A_17 = arith.constant 1 : i32
    %dma_start3A_18 = arith.constant 1 : i32
    %dma_start3A_19 = arith.constant 1 : i32
    %dma_start3A_20 = arith.constant 0 : i32
    %dma_start3A_21 = arith.constant 0 : i32
    %dma_start3A_22 = tpu.memref_slice %arg6[%dma_start3A_18, %dma_start3A_20, %dma_start3A_21] : memref<4x256x64xf32, #tpu.memory_space<vmem>> -> memref<1x256x64xf32, #tpu.memory_space<vmem>>
    %dma_start3A_23 = tpu.memref_squeeze %dma_start3A_22 : memref<1x256x64xf32, #tpu.memory_space<vmem>> -> memref<256x64xf32, #tpu.memory_space<vmem>>
    %dma_start3A_24 = arith.constant 0 : i32
    %dma_start3A_25 = tpu.memref_slice %arg5[%dma_start3A_17, %dma_start3A_24] : memref<13x256xi32, #tpu.memory_space<vmem>> -> memref<1x256xi32, #tpu.memory_space<vmem>>
    %dma_start3A_26 = tpu.memref_squeeze %dma_start3A_25 : memref<1x256xi32, #tpu.memory_space<vmem>> -> memref<256xi32, #tpu.memory_space<vmem>>
    %dma_start3A_27 = arith.constant 0 : i32
    %dma_start3A_28 = arith.constant 0 : i32
    %dma_start3A_29 = tpu.memref_slice %arg2[%dma_start3A_27, %dma_start3A_28] : memref<100000x64xf32, #tpu.memory_space<hbm>> -> memref<100000x64xf32, #tpu.memory_space<hbm>>
    %dma_start3A_30 = tpu.memref_slice %arg7[%dma_start3A_19] : memref<4x!tpu.dma_semaphore, #tpu.memory_space<semaphore_mem>> -> memref<1x!tpu.dma_semaphore, #tpu.memory_space<semaphore_mem>>
    %dma_start3A_31 = tpu.memref_squeeze %dma_start3A_30 : memref<1x!tpu.dma_semaphore, #tpu.memory_space<semaphore_mem>> -> memref<!tpu.dma_semaphore, #tpu.memory_space<semaphore_mem>>
    tpu.enqueue_indirect_dma source(%dma_start3A_29 : memref<100000x64xf32, #tpu.memory_space<hbm>>) target(%dma_start3A_23 : memref<256x64xf32, #tpu.memory_space<vmem>>) offsets(%dma_start3A_26 : memref<256xi32, #tpu.memory_space<vmem>>) semaphore(%dma_start3A_31 : memref<!tpu.dma_semaphore, #tpu.memory_space<semaphore_mem>>)
    %dma_start3A_32 = arith.constant 2 : i32
    %dma_start3A_33 = arith.constant 2 : i32
    %dma_start3A_34 = arith.constant 2 : i32
    %dma_start3A_35 = arith.constant 0 : i32
    %dma_start3A_36 = arith.constant 0 : i32
    %dma_start3A_37 = tpu.memref_slice %arg6[%dma_start3A_33, %dma_start3A_35, %dma_start3A_36] : memref<4x256x64xf32, #tpu.memory_space<vmem>> -> memref<1x256x64xf32, #tpu.memory_space<vmem>>
    %dma_start3A_38 = tpu.memref_squeeze %dma_start3A_37 : memref<1x256x64xf32, #tpu.memory_space<vmem>> -> memref<256x64xf32, #tpu.memory_space<vmem>>
    %dma_start3A_39 = arith.constant 0 : i32
    %dma_start3A_40 = tpu.memref_slice %arg5[%dma_start3A_32, %dma_start3A_39] : memref<13x256xi32, #tpu.memory_space<vmem>> -> memref<1x256xi32, #tpu.memory_space<vmem>>
    %dma_start3A_41 = tpu.memref_squeeze %dma_start3A_40 : memref<1x256xi32, #tpu.memory_space<vmem>> -> memref<256xi32, #tpu.memory_space<vmem>>
    %dma_start3A_42 = arith.constant 0 : i32
    %dma_start3A_43 = arith.constant 0 : i32
    %dma_start3A_44 = tpu.memref_slice %arg2[%dma_start3A_42, %dma_start3A_43] : memref<100000x64xf32, #tpu.memory_space<hbm>> -> memref<100000x64xf32, #tpu.memory_space<hbm>>
    %dma_start3A_45 = tpu.memref_slice %arg7[%dma_start3A_34] : memref<4x!tpu.dma_semaphore, #tpu.memory_space<semaphore_mem>> -> memref<1x!tpu.dma_semaphore, #tpu.memory_space<semaphore_mem>>
    %dma_start3A_46 = tpu.memref_squeeze %dma_start3A_45 : memref<1x!tpu.dma_semaphore, #tpu.memory_space<semaphore_mem>> -> memref<!tpu.dma_semaphore, #tpu.memory_space<semaphore_mem>>
    tpu.enqueue_indirect_dma source(%dma_start3A_44 : memref<100000x64xf32, #tpu.memory_space<hbm>>) target(%dma_start3A_38 : memref<256x64xf32, #tpu.memory_space<vmem>>) offsets(%dma_start3A_41 : memref<256xi32, #tpu.memory_space<vmem>>) semaphore(%dma_start3A_46 : memref<!tpu.dma_semaphore, #tpu.memory_space<semaphore_mem>>)
    %dma_start3A_47 = arith.constant 3 : i32
    %dma_start3A_48 = arith.constant 3 : i32
    %dma_start3A_49 = arith.constant 3 : i32
    %dma_start3A_50 = arith.constant 0 : i32
    %dma_start3A_51 = arith.constant 0 : i32
    %dma_start3A_52 = tpu.memref_slice %arg6[%dma_start3A_48, %dma_start3A_50, %dma_start3A_51] : memref<4x256x64xf32, #tpu.memory_space<vmem>> -> memref<1x256x64xf32, #tpu.memory_space<vmem>>
    %dma_start3A_53 = tpu.memref_squeeze %dma_start3A_52 : memref<1x256x64xf32, #tpu.memory_space<vmem>> -> memref<256x64xf32, #tpu.memory_space<vmem>>
    %dma_start3A_54 = arith.constant 0 : i32
    %dma_start3A_55 = tpu.memref_slice %arg5[%dma_start3A_47, %dma_start3A_54] : memref<13x256xi32, #tpu.memory_space<vmem>> -> memref<1x256xi32, #tpu.memory_space<vmem>>
    %dma_start3A_56 = tpu.memref_squeeze %dma_start3A_55 : memref<1x256xi32, #tpu.memory_space<vmem>> -> memref<256xi32, #tpu.memory_space<vmem>>
    %dma_start3A_57 = arith.constant 0 : i32
    %dma_start3A_58 = arith.constant 0 : i32
    %dma_start3A_59 = tpu.memref_slice %arg2[%dma_start3A_57, %dma_start3A_58] : memref<100000x64xf32, #tpu.memory_space<hbm>> -> memref<100000x64xf32, #tpu.memory_space<hbm>>
    %dma_start3A_60 = tpu.memref_slice %arg7[%dma_start3A_49] : memref<4x!tpu.dma_semaphore, #tpu.memory_space<semaphore_mem>> -> memref<1x!tpu.dma_semaphore, #tpu.memory_space<semaphore_mem>>
    %dma_start3A_61 = tpu.memref_squeeze %dma_start3A_60 : memref<1x!tpu.dma_semaphore, #tpu.memory_space<semaphore_mem>> -> memref<!tpu.dma_semaphore, #tpu.memory_space<semaphore_mem>>
    tpu.enqueue_indirect_dma source(%dma_start3A_59 : memref<100000x64xf32, #tpu.memory_space<hbm>>) target(%dma_start3A_53 : memref<256x64xf32, #tpu.memory_space<vmem>>) offsets(%dma_start3A_56 : memref<256xi32, #tpu.memory_space<vmem>>) semaphore(%dma_start3A_61 : memref<!tpu.dma_semaphore, #tpu.memory_space<semaphore_mem>>)
    %scan3A = arith.constant 0 : i32
    %scan3A_62 = arith.constant 4 : i32
    %scan3A_63 = arith.addi %scan3A, %scan3A_62 : i32
    %scan3A_64 = arith.constant 1 : i32
    scf.for %scan3A_66 = %scan3A to %scan3A_63 step %scan3A_64  : i32 {
      %mul3A_67 = arith.constant 4 : i32
      %mul3A_68 = arith.muli %scan3A_66, %mul3A_67 : i32
      %add3A_69 = arith.constant 0 : i32
      %add3A_70 = arith.addi %add3A_69, %mul3A_68 : i32
      %add3A_71 = arith.constant 0 : i32
      %add3A_72 = arith.addi %add3A_70, %add3A_71 : i32
      %lt3A = arith.constant 13 : i32
      %lt3A_73 = arith.cmpi slt, %add3A_72, %lt3A : i32
      %convert_element_type3A = arith.extui %lt3A_73 : i1 to i32
      %cond3A = arith.constant 0 : i32
      %cond3A_74 = arith.cmpi ne, %convert_element_type3A, %cond3A : i32
      scf.if %cond3A_74 {
        %dma_wait3A = arith.constant 0 : i32
        %dma_wait3A_96 = arith.constant 0 : i32
        %dma_wait3A_97 = arith.constant 0 : i32
        %dma_wait3A_98 = arith.constant 0 : i32
        %dma_wait3A_99 = tpu.memref_slice %arg6[%dma_wait3A, %dma_wait3A_97, %dma_wait3A_98] : memref<4x256x64xf32, #tpu.memory_space<vmem>> -> memref<1x256x64xf32, #tpu.memory_space<vmem>>
        %dma_wait3A_100 = tpu.memref_squeeze %dma_wait3A_99 : memref<1x256x64xf32, #tpu.memory_space<vmem>> -> memref<256x64xf32, #tpu.memory_space<vmem>>
        %dma_wait3A_101 = arith.constant 0 : i32
        %dma_wait3A_102 = tpu.memref_slice %arg5[%add3A_72, %dma_wait3A_101] : memref<13x256xi32, #tpu.memory_space<vmem>> -> memref<1x256xi32, #tpu.memory_space<vmem>>
        %dma_wait3A_103 = tpu.memref_squeeze %dma_wait3A_102 : memref<1x256xi32, #tpu.memory_space<vmem>> -> memref<256xi32, #tpu.memory_space<vmem>>
        %dma_wait3A_104 = arith.constant 0 : i32
        %dma_wait3A_105 = arith.constant 0 : i32
        %dma_wait3A_106 = tpu.memref_slice %arg2[%dma_wait3A_104, %dma_wait3A_105] : memref<100000x64xf32, #tpu.memory_space<hbm>> -> memref<100000x64xf32, #tpu.memory_space<hbm>>
        %dma_wait3A_107 = tpu.memref_slice %arg7[%dma_wait3A_96] : memref<4x!tpu.dma_semaphore, #tpu.memory_space<semaphore_mem>> -> memref<1x!tpu.dma_semaphore, #tpu.memory_space<semaphore_mem>>
        %dma_wait3A_108 = tpu.memref_squeeze %dma_wait3A_107 : memref<1x!tpu.dma_semaphore, #tpu.memory_space<semaphore_mem>> -> memref<!tpu.dma_semaphore, #tpu.memory_space<semaphore_mem>>
        tpu.wait_indirect_dma semaphore(%dma_wait3A_108 : memref<!tpu.dma_semaphore, #tpu.memory_space<semaphore_mem>>) src(%dma_wait3A_106 : memref<100000x64xf32, #tpu.memory_space<hbm>>) dst(%dma_wait3A_100 : memref<256x64xf32, #tpu.memory_space<vmem>>)
        %mul3A_109 = arith.constant 256 : i32
        %mul3A_110 = arith.muli %add3A_72, %mul3A_109 : i32
        %add3A_111 = arith.addi %mul3A_2, %mul3A_110 : i32
        %dma_start3A_112 = arith.constant 0 : i32
        %dma_start3A_113 = arith.constant 0 : i32
        %dma_start3A_114 = arith.constant 0 : i32
        %dma_start3A_115 = arith.constant 0 : i32
        %dma_start3A_116 = tpu.memref_slice %arg6[%dma_start3A_112, %dma_start3A_114, %dma_start3A_115] : memref<4x256x64xf32, #tpu.memory_space<vmem>> -> memref<1x256x64xf32, #tpu.memory_space<vmem>>
        %dma_start3A_117 = tpu.memref_squeeze %dma_start3A_116 : memref<1x256x64xf32, #tpu.memory_space<vmem>> -> memref<256x64xf32, #tpu.memory_space<vmem>>
        %dma_start3A_118 = arith.constant 0 : i32
        %dma_start3A_119 = tpu.memref_slice %arg4[%add3A_111, %dma_start3A_118] : memref<106496x64xf32, #tpu.memory_space<hbm>> -> memref<256x64xf32, #tpu.memory_space<hbm>>
        %dma_start3A_120 = tpu.memref_slice %arg8[%dma_start3A_113] : memref<4x!tpu.dma_semaphore, #tpu.memory_space<semaphore_mem>> -> memref<1x!tpu.dma_semaphore, #tpu.memory_space<semaphore_mem>>
        %dma_start3A_121 = tpu.memref_squeeze %dma_start3A_120 : memref<1x!tpu.dma_semaphore, #tpu.memory_space<semaphore_mem>> -> memref<!tpu.dma_semaphore, #tpu.memory_space<semaphore_mem>>
        %dma_start3A_122 = arith.constant 0 : i32
        %dma_start3A_123 = tpu.memref_slice %arg4[%add3A_111, %dma_start3A_122] : memref<106496x64xf32, #tpu.memory_space<hbm>> -> memref<256x64xf32, #tpu.memory_space<hbm>>
        %dma_start3A_124 = arith.constant 0 : i32
        %dma_start3A_125 = arith.constant 0 : i32
        %dma_start3A_126 = tpu.memref_slice %arg6[%dma_start3A_112, %dma_start3A_124, %dma_start3A_125] : memref<4x256x64xf32, #tpu.memory_space<vmem>> -> memref<1x256x64xf32, #tpu.memory_space<vmem>>
        %dma_start3A_127 = tpu.memref_squeeze %dma_start3A_126 : memref<1x256x64xf32, #tpu.memory_space<vmem>> -> memref<256x64xf32, #tpu.memory_space<vmem>>
        tpu.enqueue_dma source(%dma_start3A_127 : memref<256x64xf32, #tpu.memory_space<vmem>>) target(%dma_start3A_123 : memref<256x64xf32, #tpu.memory_space<hbm>>) target_semaphore(%dma_start3A_121 : memref<!tpu.dma_semaphore, #tpu.memory_space<semaphore_mem>>)
        %mul3A_128 = arith.constant 256 : i32
        %mul3A_129 = arith.muli %add3A_72, %mul3A_128 : i32
        %add3A_130 = arith.addi %mul3A_2, %mul3A_129 : i32
        %dma_wait3A_131 = arith.constant 0 : i32
        %dma_wait3A_132 = arith.constant 0 : i32
        %dma_wait3A_133 = arith.constant 0 : i32
        %dma_wait3A_134 = arith.constant 0 : i32
        %dma_wait3A_135 = tpu.memref_slice %arg6[%dma_wait3A_131, %dma_wait3A_133, %dma_wait3A_134] : memref<4x256x64xf32, #tpu.memory_space<vmem>> -> memref<1x256x64xf32, #tpu.memory_space<vmem>>
        %dma_wait3A_136 = tpu.memref_squeeze %dma_wait3A_135 : memref<1x256x64xf32, #tpu.memory_space<vmem>> -> memref<256x64xf32, #tpu.memory_space<vmem>>
        %dma_wait3A_137 = arith.constant 0 : i32
        %dma_wait3A_138 = tpu.memref_slice %arg4[%add3A_130, %dma_wait3A_137] : memref<106496x64xf32, #tpu.memory_space<hbm>> -> memref<256x64xf32, #tpu.memory_space<hbm>>
        %dma_wait3A_139 = tpu.memref_slice %arg8[%dma_wait3A_132] : memref<4x!tpu.dma_semaphore, #tpu.memory_space<semaphore_mem>> -> memref<1x!tpu.dma_semaphore, #tpu.memory_space<semaphore_mem>>
        %dma_wait3A_140 = tpu.memref_squeeze %dma_wait3A_139 : memref<1x!tpu.dma_semaphore, #tpu.memory_space<semaphore_mem>> -> memref<!tpu.dma_semaphore, #tpu.memory_space<semaphore_mem>>
        %dma_wait3A_141 = arith.constant 0 : i32
        %dma_wait3A_142 = tpu.memref_slice %arg4[%add3A_130, %dma_wait3A_141] : memref<106496x64xf32, #tpu.memory_space<hbm>> -> memref<256x64xf32, #tpu.memory_space<hbm>>
        %dma_wait3A_143 = arith.constant 0 : i32
        %dma_wait3A_144 = arith.constant 0 : i32
        %dma_wait3A_145 = tpu.memref_slice %arg6[%dma_wait3A_131, %dma_wait3A_143, %dma_wait3A_144] : memref<4x256x64xf32, #tpu.memory_space<vmem>> -> memref<1x256x64xf32, #tpu.memory_space<vmem>>
        %dma_wait3A_146 = tpu.memref_squeeze %dma_wait3A_145 : memref<1x256x64xf32, #tpu.memory_space<vmem>> -> memref<256x64xf32, #tpu.memory_space<vmem>>
        tpu.wait_dma2 semaphore(%dma_wait3A_140 : memref<!tpu.dma_semaphore, #tpu.memory_space<semaphore_mem>>) src(%dma_wait3A_146 : memref<256x64xf32, #tpu.memory_space<vmem>>) dst(%dma_wait3A_142 : memref<256x64xf32, #tpu.memory_space<hbm>>)
        %add3A_147 = arith.constant 4 : i32
        %add3A_148 = arith.addi %add3A_72, %add3A_147 : i32
        %lt3A_149 = arith.constant 13 : i32
        %lt3A_150 = arith.cmpi slt, %add3A_148, %lt3A_149 : i32
        %convert_element_type3A_151 = arith.extui %lt3A_150 : i1 to i32
        %cond3A_152 = arith.constant 0 : i32
        %cond3A_153 = arith.cmpi ne, %convert_element_type3A_151, %cond3A_152 : i32
        scf.if %cond3A_153 {
          %dma_start3A_154 = arith.constant 0 : i32
          %dma_start3A_155 = arith.constant 0 : i32
          %dma_start3A_156 = arith.constant 0 : i32
          %dma_start3A_157 = arith.constant 0 : i32
          %dma_start3A_158 = tpu.memref_slice %arg6[%dma_start3A_154, %dma_start3A_156, %dma_start3A_157] : memref<4x256x64xf32, #tpu.memory_space<vmem>> -> memref<1x256x64xf32, #tpu.memory_space<vmem>>
          %dma_start3A_159 = tpu.memref_squeeze %dma_start3A_158 : memref<1x256x64xf32, #tpu.memory_space<vmem>> -> memref<256x64xf32, #tpu.memory_space<vmem>>
          %dma_start3A_160 = arith.constant 0 : i32
          %dma_start3A_161 = tpu.memref_slice %arg5[%add3A_148, %dma_start3A_160] : memref<13x256xi32, #tpu.memory_space<vmem>> -> memref<1x256xi32, #tpu.memory_space<vmem>>
          %dma_start3A_162 = tpu.memref_squeeze %dma_start3A_161 : memref<1x256xi32, #tpu.memory_space<vmem>> -> memref<256xi32, #tpu.memory_space<vmem>>
          %dma_start3A_163 = arith.constant 0 : i32
          %dma_start3A_164 = arith.constant 0 : i32
          %dma_start3A_165 = tpu.memref_slice %arg2[%dma_start3A_163, %dma_start3A_164] : memref<100000x64xf32, #tpu.memory_space<hbm>> -> memref<100000x64xf32, #tpu.memory_space<hbm>>
          %dma_start3A_166 = tpu.memref_slice %arg7[%dma_start3A_155] : memref<4x!tpu.dma_semaphore, #tpu.memory_space<semaphore_mem>> -> memref<1x!tpu.dma_semaphore, #tpu.memory_space<semaphore_mem>>
          %dma_start3A_167 = tpu.memref_squeeze %dma_start3A_166 : memref<1x!tpu.dma_semaphore, #tpu.memory_space<semaphore_mem>> -> memref<!tpu.dma_semaphore, #tpu.memory_space<semaphore_mem>>
          tpu.enqueue_indirect_dma source(%dma_start3A_165 : memref<100000x64xf32, #tpu.memory_space<hbm>>) target(%dma_start3A_159 : memref<256x64xf32, #tpu.memory_space<vmem>>) offsets(%dma_start3A_162 : memref<256xi32, #tpu.memory_space<vmem>>) semaphore(%dma_start3A_167 : memref<!tpu.dma_semaphore, #tpu.memory_space<semaphore_mem>>)
        } else {
        }
      } else {
      }
      %add3A_75 = arith.constant 1 : i32
      %add3A_76 = arith.addi %add3A_70, %add3A_75 : i32
      %lt3A_77 = arith.constant 13 : i32
      %lt3A_78 = arith.cmpi slt, %add3A_76, %lt3A_77 : i32
      %convert_element_type3A_79 = arith.extui %lt3A_78 : i1 to i32
      %cond3A_80 = arith.constant 0 : i32
      %cond3A_81 = arith.cmpi ne, %convert_element_type3A_79, %cond3A_80 : i32
      scf.if %cond3A_81 {
        %dma_wait3A = arith.constant 1 : i32
        %dma_wait3A_96 = arith.constant 1 : i32
        %dma_wait3A_97 = arith.constant 0 : i32
        %dma_wait3A_98 = arith.constant 0 : i32
        %dma_wait3A_99 = tpu.memref_slice %arg6[%dma_wait3A, %dma_wait3A_97, %dma_wait3A_98] : memref<4x256x64xf32, #tpu.memory_space<vmem>> -> memref<1x256x64xf32, #tpu.memory_space<vmem>>
        %dma_wait3A_100 = tpu.memref_squeeze %dma_wait3A_99 : memref<1x256x64xf32, #tpu.memory_space<vmem>> -> memref<256x64xf32, #tpu.memory_space<vmem>>
        %dma_wait3A_101 = arith.constant 0 : i32
        %dma_wait3A_102 = tpu.memref_slice %arg5[%add3A_76, %dma_wait3A_101] : memref<13x256xi32, #tpu.memory_space<vmem>> -> memref<1x256xi32, #tpu.memory_space<vmem>>
        %dma_wait3A_103 = tpu.memref_squeeze %dma_wait3A_102 : memref<1x256xi32, #tpu.memory_space<vmem>> -> memref<256xi32, #tpu.memory_space<vmem>>
        %dma_wait3A_104 = arith.constant 0 : i32
        %dma_wait3A_105 = arith.constant 0 : i32
        %dma_wait3A_106 = tpu.memref_slice %arg2[%dma_wait3A_104, %dma_wait3A_105] : memref<100000x64xf32, #tpu.memory_space<hbm>> -> memref<100000x64xf32, #tpu.memory_space<hbm>>
        %dma_wait3A_107 = tpu.memref_slice %arg7[%dma_wait3A_96] : memref<4x!tpu.dma_semaphore, #tpu.memory_space<semaphore_mem>> -> memref<1x!tpu.dma_semaphore, #tpu.memory_space<semaphore_mem>>
        %dma_wait3A_108 = tpu.memref_squeeze %dma_wait3A_107 : memref<1x!tpu.dma_semaphore, #tpu.memory_space<semaphore_mem>> -> memref<!tpu.dma_semaphore, #tpu.memory_space<semaphore_mem>>
        tpu.wait_indirect_dma semaphore(%dma_wait3A_108 : memref<!tpu.dma_semaphore, #tpu.memory_space<semaphore_mem>>) src(%dma_wait3A_106 : memref<100000x64xf32, #tpu.memory_space<hbm>>) dst(%dma_wait3A_100 : memref<256x64xf32, #tpu.memory_space<vmem>>)
        %mul3A_109 = arith.constant 256 : i32
        %mul3A_110 = arith.muli %add3A_76, %mul3A_109 : i32
        %add3A_111 = arith.addi %mul3A_2, %mul3A_110 : i32
        %dma_start3A_112 = arith.constant 1 : i32
        %dma_start3A_113 = arith.constant 1 : i32
        %dma_start3A_114 = arith.constant 0 : i32
        %dma_start3A_115 = arith.constant 0 : i32
        %dma_start3A_116 = tpu.memref_slice %arg6[%dma_start3A_112, %dma_start3A_114, %dma_start3A_115] : memref<4x256x64xf32, #tpu.memory_space<vmem>> -> memref<1x256x64xf32, #tpu.memory_space<vmem>>
        %dma_start3A_117 = tpu.memref_squeeze %dma_start3A_116 : memref<1x256x64xf32, #tpu.memory_space<vmem>> -> memref<256x64xf32, #tpu.memory_space<vmem>>
        %dma_start3A_118 = arith.constant 0 : i32
        %dma_start3A_119 = tpu.memref_slice %arg4[%add3A_111, %dma_start3A_118] : memref<106496x64xf32, #tpu.memory_space<hbm>> -> memref<256x64xf32, #tpu.memory_space<hbm>>
        %dma_start3A_120 = tpu.memref_slice %arg8[%dma_start3A_113] : memref<4x!tpu.dma_semaphore, #tpu.memory_space<semaphore_mem>> -> memref<1x!tpu.dma_semaphore, #tpu.memory_space<semaphore_mem>>
        %dma_start3A_121 = tpu.memref_squeeze %dma_start3A_120 : memref<1x!tpu.dma_semaphore, #tpu.memory_space<semaphore_mem>> -> memref<!tpu.dma_semaphore, #tpu.memory_space<semaphore_mem>>
        %dma_start3A_122 = arith.constant 0 : i32
        %dma_start3A_123 = tpu.memref_slice %arg4[%add3A_111, %dma_start3A_122] : memref<106496x64xf32, #tpu.memory_space<hbm>> -> memref<256x64xf32, #tpu.memory_space<hbm>>
        %dma_start3A_124 = arith.constant 0 : i32
        %dma_start3A_125 = arith.constant 0 : i32
        %dma_start3A_126 = tpu.memref_slice %arg6[%dma_start3A_112, %dma_start3A_124, %dma_start3A_125] : memref<4x256x64xf32, #tpu.memory_space<vmem>> -> memref<1x256x64xf32, #tpu.memory_space<vmem>>
        %dma_start3A_127 = tpu.memref_squeeze %dma_start3A_126 : memref<1x256x64xf32, #tpu.memory_space<vmem>> -> memref<256x64xf32, #tpu.memory_space<vmem>>
        tpu.enqueue_dma source(%dma_start3A_127 : memref<256x64xf32, #tpu.memory_space<vmem>>) target(%dma_start3A_123 : memref<256x64xf32, #tpu.memory_space<hbm>>) target_semaphore(%dma_start3A_121 : memref<!tpu.dma_semaphore, #tpu.memory_space<semaphore_mem>>)
        %mul3A_128 = arith.constant 256 : i32
        %mul3A_129 = arith.muli %add3A_76, %mul3A_128 : i32
        %add3A_130 = arith.addi %mul3A_2, %mul3A_129 : i32
        %dma_wait3A_131 = arith.constant 1 : i32
        %dma_wait3A_132 = arith.constant 1 : i32
        %dma_wait3A_133 = arith.constant 0 : i32
        %dma_wait3A_134 = arith.constant 0 : i32
        %dma_wait3A_135 = tpu.memref_slice %arg6[%dma_wait3A_131, %dma_wait3A_133, %dma_wait3A_134] : memref<4x256x64xf32, #tpu.memory_space<vmem>> -> memref<1x256x64xf32, #tpu.memory_space<vmem>>
        %dma_wait3A_136 = tpu.memref_squeeze %dma_wait3A_135 : memref<1x256x64xf32, #tpu.memory_space<vmem>> -> memref<256x64xf32, #tpu.memory_space<vmem>>
        %dma_wait3A_137 = arith.constant 0 : i32
        %dma_wait3A_138 = tpu.memref_slice %arg4[%add3A_130, %dma_wait3A_137] : memref<106496x64xf32, #tpu.memory_space<hbm>> -> memref<256x64xf32, #tpu.memory_space<hbm>>
        %dma_wait3A_139 = tpu.memref_slice %arg8[%dma_wait3A_132] : memref<4x!tpu.dma_semaphore, #tpu.memory_space<semaphore_mem>> -> memref<1x!tpu.dma_semaphore, #tpu.memory_space<semaphore_mem>>
        %dma_wait3A_140 = tpu.memref_squeeze %dma_wait3A_139 : memref<1x!tpu.dma_semaphore, #tpu.memory_space<semaphore_mem>> -> memref<!tpu.dma_semaphore, #tpu.memory_space<semaphore_mem>>
        %dma_wait3A_141 = arith.constant 0 : i32
        %dma_wait3A_142 = tpu.memref_slice %arg4[%add3A_130, %dma_wait3A_141] : memref<106496x64xf32, #tpu.memory_space<hbm>> -> memref<256x64xf32, #tpu.memory_space<hbm>>
        %dma_wait3A_143 = arith.constant 0 : i32
        %dma_wait3A_144 = arith.constant 0 : i32
        %dma_wait3A_145 = tpu.memref_slice %arg6[%dma_wait3A_131, %dma_wait3A_143, %dma_wait3A_144] : memref<4x256x64xf32, #tpu.memory_space<vmem>> -> memref<1x256x64xf32, #tpu.memory_space<vmem>>
        %dma_wait3A_146 = tpu.memref_squeeze %dma_wait3A_145 : memref<1x256x64xf32, #tpu.memory_space<vmem>> -> memref<256x64xf32, #tpu.memory_space<vmem>>
        tpu.wait_dma2 semaphore(%dma_wait3A_140 : memref<!tpu.dma_semaphore, #tpu.memory_space<semaphore_mem>>) src(%dma_wait3A_146 : memref<256x64xf32, #tpu.memory_space<vmem>>) dst(%dma_wait3A_142 : memref<256x64xf32, #tpu.memory_space<hbm>>)
        %add3A_147 = arith.constant 4 : i32
        %add3A_148 = arith.addi %add3A_76, %add3A_147 : i32
        %lt3A_149 = arith.constant 13 : i32
        %lt3A_150 = arith.cmpi slt, %add3A_148, %lt3A_149 : i32
        %convert_element_type3A_151 = arith.extui %lt3A_150 : i1 to i32
        %cond3A_152 = arith.constant 0 : i32
        %cond3A_153 = arith.cmpi ne, %convert_element_type3A_151, %cond3A_152 : i32
        scf.if %cond3A_153 {
          %dma_start3A_154 = arith.constant 1 : i32
          %dma_start3A_155 = arith.constant 1 : i32
          %dma_start3A_156 = arith.constant 0 : i32
          %dma_start3A_157 = arith.constant 0 : i32
          %dma_start3A_158 = tpu.memref_slice %arg6[%dma_start3A_154, %dma_start3A_156, %dma_start3A_157] : memref<4x256x64xf32, #tpu.memory_space<vmem>> -> memref<1x256x64xf32, #tpu.memory_space<vmem>>
          %dma_start3A_159 = tpu.memref_squeeze %dma_start3A_158 : memref<1x256x64xf32, #tpu.memory_space<vmem>> -> memref<256x64xf32, #tpu.memory_space<vmem>>
          %dma_start3A_160 = arith.constant 0 : i32
          %dma_start3A_161 = tpu.memref_slice %arg5[%add3A_148, %dma_start3A_160] : memref<13x256xi32, #tpu.memory_space<vmem>> -> memref<1x256xi32, #tpu.memory_space<vmem>>
          %dma_start3A_162 = tpu.memref_squeeze %dma_start3A_161 : memref<1x256xi32, #tpu.memory_space<vmem>> -> memref<256xi32, #tpu.memory_space<vmem>>
          %dma_start3A_163 = arith.constant 0 : i32
          %dma_start3A_164 = arith.constant 0 : i32
          %dma_start3A_165 = tpu.memref_slice %arg2[%dma_start3A_163, %dma_start3A_164] : memref<100000x64xf32, #tpu.memory_space<hbm>> -> memref<100000x64xf32, #tpu.memory_space<hbm>>
          %dma_start3A_166 = tpu.memref_slice %arg7[%dma_start3A_155] : memref<4x!tpu.dma_semaphore, #tpu.memory_space<semaphore_mem>> -> memref<1x!tpu.dma_semaphore, #tpu.memory_space<semaphore_mem>>
          %dma_start3A_167 = tpu.memref_squeeze %dma_start3A_166 : memref<1x!tpu.dma_semaphore, #tpu.memory_space<semaphore_mem>> -> memref<!tpu.dma_semaphore, #tpu.memory_space<semaphore_mem>>
          tpu.enqueue_indirect_dma source(%dma_start3A_165 : memref<100000x64xf32, #tpu.memory_space<hbm>>) target(%dma_start3A_159 : memref<256x64xf32, #tpu.memory_space<vmem>>) offsets(%dma_start3A_162 : memref<256xi32, #tpu.memory_space<vmem>>) semaphore(%dma_start3A_167 : memref<!tpu.dma_semaphore, #tpu.memory_space<semaphore_mem>>)
        } else {
        }
      } else {
      }
      %add3A_82 = arith.constant 2 : i32
      %add3A_83 = arith.addi %add3A_70, %add3A_82 : i32
      %lt3A_84 = arith.constant 13 : i32
      %lt3A_85 = arith.cmpi slt, %add3A_83, %lt3A_84 : i32
      %convert_element_type3A_86 = arith.extui %lt3A_85 : i1 to i32
      %cond3A_87 = arith.constant 0 : i32
      %cond3A_88 = arith.cmpi ne, %convert_element_type3A_86, %cond3A_87 : i32
      scf.if %cond3A_88 {
        %dma_wait3A = arith.constant 2 : i32
        %dma_wait3A_96 = arith.constant 2 : i32
        %dma_wait3A_97 = arith.constant 0 : i32
        %dma_wait3A_98 = arith.constant 0 : i32
        %dma_wait3A_99 = tpu.memref_slice %arg6[%dma_wait3A, %dma_wait3A_97, %dma_wait3A_98] : memref<4x256x64xf32, #tpu.memory_space<vmem>> -> memref<1x256x64xf32, #tpu.memory_space<vmem>>
        %dma_wait3A_100 = tpu.memref_squeeze %dma_wait3A_99 : memref<1x256x64xf32, #tpu.memory_space<vmem>> -> memref<256x64xf32, #tpu.memory_space<vmem>>
        %dma_wait3A_101 = arith.constant 0 : i32
        %dma_wait3A_102 = tpu.memref_slice %arg5[%add3A_83, %dma_wait3A_101] : memref<13x256xi32, #tpu.memory_space<vmem>> -> memref<1x256xi32, #tpu.memory_space<vmem>>
        %dma_wait3A_103 = tpu.memref_squeeze %dma_wait3A_102 : memref<1x256xi32, #tpu.memory_space<vmem>> -> memref<256xi32, #tpu.memory_space<vmem>>
        %dma_wait3A_104 = arith.constant 0 : i32
        %dma_wait3A_105 = arith.constant 0 : i32
        %dma_wait3A_106 = tpu.memref_slice %arg2[%dma_wait3A_104, %dma_wait3A_105] : memref<100000x64xf32, #tpu.memory_space<hbm>> -> memref<100000x64xf32, #tpu.memory_space<hbm>>
        %dma_wait3A_107 = tpu.memref_slice %arg7[%dma_wait3A_96] : memref<4x!tpu.dma_semaphore, #tpu.memory_space<semaphore_mem>> -> memref<1x!tpu.dma_semaphore, #tpu.memory_space<semaphore_mem>>
        %dma_wait3A_108 = tpu.memref_squeeze %dma_wait3A_107 : memref<1x!tpu.dma_semaphore, #tpu.memory_space<semaphore_mem>> -> memref<!tpu.dma_semaphore, #tpu.memory_space<semaphore_mem>>
        tpu.wait_indirect_dma semaphore(%dma_wait3A_108 : memref<!tpu.dma_semaphore, #tpu.memory_space<semaphore_mem>>) src(%dma_wait3A_106 : memref<100000x64xf32, #tpu.memory_space<hbm>>) dst(%dma_wait3A_100 : memref<256x64xf32, #tpu.memory_space<vmem>>)
        %mul3A_109 = arith.constant 256 : i32
        %mul3A_110 = arith.muli %add3A_83, %mul3A_109 : i32
        %add3A_111 = arith.addi %mul3A_2, %mul3A_110 : i32
        %dma_start3A_112 = arith.constant 2 : i32
        %dma_start3A_113 = arith.constant 2 : i32
        %dma_start3A_114 = arith.constant 0 : i32
        %dma_start3A_115 = arith.constant 0 : i32
        %dma_start3A_116 = tpu.memref_slice %arg6[%dma_start3A_112, %dma_start3A_114, %dma_start3A_115] : memref<4x256x64xf32, #tpu.memory_space<vmem>> -> memref<1x256x64xf32, #tpu.memory_space<vmem>>
        %dma_start3A_117 = tpu.memref_squeeze %dma_start3A_116 : memref<1x256x64xf32, #tpu.memory_space<vmem>> -> memref<256x64xf32, #tpu.memory_space<vmem>>
        %dma_start3A_118 = arith.constant 0 : i32
        %dma_start3A_119 = tpu.memref_slice %arg4[%add3A_111, %dma_start3A_118] : memref<106496x64xf32, #tpu.memory_space<hbm>> -> memref<256x64xf32, #tpu.memory_space<hbm>>
        %dma_start3A_120 = tpu.memref_slice %arg8[%dma_start3A_113] : memref<4x!tpu.dma_semaphore, #tpu.memory_space<semaphore_mem>> -> memref<1x!tpu.dma_semaphore, #tpu.memory_space<semaphore_mem>>
        %dma_start3A_121 = tpu.memref_squeeze %dma_start3A_120 : memref<1x!tpu.dma_semaphore, #tpu.memory_space<semaphore_mem>> -> memref<!tpu.dma_semaphore, #tpu.memory_space<semaphore_mem>>
        %dma_start3A_122 = arith.constant 0 : i32
        %dma_start3A_123 = tpu.memref_slice %arg4[%add3A_111, %dma_start3A_122] : memref<106496x64xf32, #tpu.memory_space<hbm>> -> memref<256x64xf32, #tpu.memory_space<hbm>>
        %dma_start3A_124 = arith.constant 0 : i32
        %dma_start3A_125 = arith.constant 0 : i32
        %dma_start3A_126 = tpu.memref_slice %arg6[%dma_start3A_112, %dma_start3A_124, %dma_start3A_125] : memref<4x256x64xf32, #tpu.memory_space<vmem>> -> memref<1x256x64xf32, #tpu.memory_space<vmem>>
        %dma_start3A_127 = tpu.memref_squeeze %dma_start3A_126 : memref<1x256x64xf32, #tpu.memory_space<vmem>> -> memref<256x64xf32, #tpu.memory_space<vmem>>
        tpu.enqueue_dma source(%dma_start3A_127 : memref<256x64xf32, #tpu.memory_space<vmem>>) target(%dma_start3A_123 : memref<256x64xf32, #tpu.memory_space<hbm>>) target_semaphore(%dma_start3A_121 : memref<!tpu.dma_semaphore, #tpu.memory_space<semaphore_mem>>)
        %mul3A_128 = arith.constant 256 : i32
        %mul3A_129 = arith.muli %add3A_83, %mul3A_128 : i32
        %add3A_130 = arith.addi %mul3A_2, %mul3A_129 : i32
        %dma_wait3A_131 = arith.constant 2 : i32
        %dma_wait3A_132 = arith.constant 2 : i32
        %dma_wait3A_133 = arith.constant 0 : i32
        %dma_wait3A_134 = arith.constant 0 : i32
        %dma_wait3A_135 = tpu.memref_slice %arg6[%dma_wait3A_131, %dma_wait3A_133, %dma_wait3A_134] : memref<4x256x64xf32, #tpu.memory_space<vmem>> -> memref<1x256x64xf32, #tpu.memory_space<vmem>>
        %dma_wait3A_136 = tpu.memref_squeeze %dma_wait3A_135 : memref<1x256x64xf32, #tpu.memory_space<vmem>> -> memref<256x64xf32, #tpu.memory_space<vmem>>
        %dma_wait3A_137 = arith.constant 0 : i32
        %dma_wait3A_138 = tpu.memref_slice %arg4[%add3A_130, %dma_wait3A_137] : memref<106496x64xf32, #tpu.memory_space<hbm>> -> memref<256x64xf32, #tpu.memory_space<hbm>>
        %dma_wait3A_139 = tpu.memref_slice %arg8[%dma_wait3A_132] : memref<4x!tpu.dma_semaphore, #tpu.memory_space<semaphore_mem>> -> memref<1x!tpu.dma_semaphore, #tpu.memory_space<semaphore_mem>>
        %dma_wait3A_140 = tpu.memref_squeeze %dma_wait3A_139 : memref<1x!tpu.dma_semaphore, #tpu.memory_space<semaphore_mem>> -> memref<!tpu.dma_semaphore, #tpu.memory_space<semaphore_mem>>
        %dma_wait3A_141 = arith.constant 0 : i32
        %dma_wait3A_142 = tpu.memref_slice %arg4[%add3A_130, %dma_wait3A_141] : memref<106496x64xf32, #tpu.memory_space<hbm>> -> memref<256x64xf32, #tpu.memory_space<hbm>>
        %dma_wait3A_143 = arith.constant 0 : i32
        %dma_wait3A_144 = arith.constant 0 : i32
        %dma_wait3A_145 = tpu.memref_slice %arg6[%dma_wait3A_131, %dma_wait3A_143, %dma_wait3A_144] : memref<4x256x64xf32, #tpu.memory_space<vmem>> -> memref<1x256x64xf32, #tpu.memory_space<vmem>>
        %dma_wait3A_146 = tpu.memref_squeeze %dma_wait3A_145 : memref<1x256x64xf32, #tpu.memory_space<vmem>> -> memref<256x64xf32, #tpu.memory_space<vmem>>
        tpu.wait_dma2 semaphore(%dma_wait3A_140 : memref<!tpu.dma_semaphore, #tpu.memory_space<semaphore_mem>>) src(%dma_wait3A_146 : memref<256x64xf32, #tpu.memory_space<vmem>>) dst(%dma_wait3A_142 : memref<256x64xf32, #tpu.memory_space<hbm>>)
        %add3A_147 = arith.constant 4 : i32
        %add3A_148 = arith.addi %add3A_83, %add3A_147 : i32
        %lt3A_149 = arith.constant 13 : i32
        %lt3A_150 = arith.cmpi slt, %add3A_148, %lt3A_149 : i32
        %convert_element_type3A_151 = arith.extui %lt3A_150 : i1 to i32
        %cond3A_152 = arith.constant 0 : i32
        %cond3A_153 = arith.cmpi ne, %convert_element_type3A_151, %cond3A_152 : i32
        scf.if %cond3A_153 {
          %dma_start3A_154 = arith.constant 2 : i32
          %dma_start3A_155 = arith.constant 2 : i32
          %dma_start3A_156 = arith.constant 0 : i32
          %dma_start3A_157 = arith.constant 0 : i32
          %dma_start3A_158 = tpu.memref_slice %arg6[%dma_start3A_154, %dma_start3A_156, %dma_start3A_157] : memref<4x256x64xf32, #tpu.memory_space<vmem>> -> memref<1x256x64xf32, #tpu.memory_space<vmem>>
          %dma_start3A_159 = tpu.memref_squeeze %dma_start3A_158 : memref<1x256x64xf32, #tpu.memory_space<vmem>> -> memref<256x64xf32, #tpu.memory_space<vmem>>
          %dma_start3A_160 = arith.constant 0 : i32
          %dma_start3A_161 = tpu.memref_slice %arg5[%add3A_148, %dma_start3A_160] : memref<13x256xi32, #tpu.memory_space<vmem>> -> memref<1x256xi32, #tpu.memory_space<vmem>>
          %dma_start3A_162 = tpu.memref_squeeze %dma_start3A_161 : memref<1x256xi32, #tpu.memory_space<vmem>> -> memref<256xi32, #tpu.memory_space<vmem>>
          %dma_start3A_163 = arith.constant 0 : i32
          %dma_start3A_164 = arith.constant 0 : i32
          %dma_start3A_165 = tpu.memref_slice %arg2[%dma_start3A_163, %dma_start3A_164] : memref<100000x64xf32, #tpu.memory_space<hbm>> -> memref<100000x64xf32, #tpu.memory_space<hbm>>
          %dma_start3A_166 = tpu.memref_slice %arg7[%dma_start3A_155] : memref<4x!tpu.dma_semaphore, #tpu.memory_space<semaphore_mem>> -> memref<1x!tpu.dma_semaphore, #tpu.memory_space<semaphore_mem>>
          %dma_start3A_167 = tpu.memref_squeeze %dma_start3A_166 : memref<1x!tpu.dma_semaphore, #tpu.memory_space<semaphore_mem>> -> memref<!tpu.dma_semaphore, #tpu.memory_space<semaphore_mem>>
          tpu.enqueue_indirect_dma source(%dma_start3A_165 : memref<100000x64xf32, #tpu.memory_space<hbm>>) target(%dma_start3A_159 : memref<256x64xf32, #tpu.memory_space<vmem>>) offsets(%dma_start3A_162 : memref<256xi32, #tpu.memory_space<vmem>>) semaphore(%dma_start3A_167 : memref<!tpu.dma_semaphore, #tpu.memory_space<semaphore_mem>>)
        } else {
        }
      } else {
      }
      %add3A_89 = arith.constant 3 : i32
      %add3A_90 = arith.addi %add3A_70, %add3A_89 : i32
      %lt3A_91 = arith.constant 13 : i32
      %lt3A_92 = arith.cmpi slt, %add3A_90, %lt3A_91 : i32
      %convert_element_type3A_93 = arith.extui %lt3A_92 : i1 to i32
      %cond3A_94 = arith.constant 0 : i32
      %cond3A_95 = arith.cmpi ne, %convert_element_type3A_93, %cond3A_94 : i32
      scf.if %cond3A_95 {
        %dma_wait3A = arith.constant 3 : i32
        %dma_wait3A_96 = arith.constant 3 : i32
        %dma_wait3A_97 = arith.constant 0 : i32
        %dma_wait3A_98 = arith.constant 0 : i32
        %dma_wait3A_99 = tpu.memref_slice %arg6[%dma_wait3A, %dma_wait3A_97, %dma_wait3A_98] : memref<4x256x64xf32, #tpu.memory_space<vmem>> -> memref<1x256x64xf32, #tpu.memory_space<vmem>>
        %dma_wait3A_100 = tpu.memref_squeeze %dma_wait3A_99 : memref<1x256x64xf32, #tpu.memory_space<vmem>> -> memref<256x64xf32, #tpu.memory_space<vmem>>
        %dma_wait3A_101 = arith.constant 0 : i32
        %dma_wait3A_102 = tpu.memref_slice %arg5[%add3A_90, %dma_wait3A_101] : memref<13x256xi32, #tpu.memory_space<vmem>> -> memref<1x256xi32, #tpu.memory_space<vmem>>
        %dma_wait3A_103 = tpu.memref_squeeze %dma_wait3A_102 : memref<1x256xi32, #tpu.memory_space<vmem>> -> memref<256xi32, #tpu.memory_space<vmem>>
        %dma_wait3A_104 = arith.constant 0 : i32
        %dma_wait3A_105 = arith.constant 0 : i32
        %dma_wait3A_106 = tpu.memref_slice %arg2[%dma_wait3A_104, %dma_wait3A_105] : memref<100000x64xf32, #tpu.memory_space<hbm>> -> memref<100000x64xf32, #tpu.memory_space<hbm>>
        %dma_wait3A_107 = tpu.memref_slice %arg7[%dma_wait3A_96] : memref<4x!tpu.dma_semaphore, #tpu.memory_space<semaphore_mem>> -> memref<1x!tpu.dma_semaphore, #tpu.memory_space<semaphore_mem>>
        %dma_wait3A_108 = tpu.memref_squeeze %dma_wait3A_107 : memref<1x!tpu.dma_semaphore, #tpu.memory_space<semaphore_mem>> -> memref<!tpu.dma_semaphore, #tpu.memory_space<semaphore_mem>>
        tpu.wait_indirect_dma semaphore(%dma_wait3A_108 : memref<!tpu.dma_semaphore, #tpu.memory_space<semaphore_mem>>) src(%dma_wait3A_106 : memref<100000x64xf32, #tpu.memory_space<hbm>>) dst(%dma_wait3A_100 : memref<256x64xf32, #tpu.memory_space<vmem>>)
        %mul3A_109 = arith.constant 256 : i32
        %mul3A_110 = arith.muli %add3A_90, %mul3A_109 : i32
        %add3A_111 = arith.addi %mul3A_2, %mul3A_110 : i32
        %dma_start3A_112 = arith.constant 3 : i32
        %dma_start3A_113 = arith.constant 3 : i32
        %dma_start3A_114 = arith.constant 0 : i32
        %dma_start3A_115 = arith.constant 0 : i32
        %dma_start3A_116 = tpu.memref_slice %arg6[%dma_start3A_112, %dma_start3A_114, %dma_start3A_115] : memref<4x256x64xf32, #tpu.memory_space<vmem>> -> memref<1x256x64xf32, #tpu.memory_space<vmem>>
        %dma_start3A_117 = tpu.memref_squeeze %dma_start3A_116 : memref<1x256x64xf32, #tpu.memory_space<vmem>> -> memref<256x64xf32, #tpu.memory_space<vmem>>
        %dma_start3A_118 = arith.constant 0 : i32
        %dma_start3A_119 = tpu.memref_slice %arg4[%add3A_111, %dma_start3A_118] : memref<106496x64xf32, #tpu.memory_space<hbm>> -> memref<256x64xf32, #tpu.memory_space<hbm>>
        %dma_start3A_120 = tpu.memref_slice %arg8[%dma_start3A_113] : memref<4x!tpu.dma_semaphore, #tpu.memory_space<semaphore_mem>> -> memref<1x!tpu.dma_semaphore, #tpu.memory_space<semaphore_mem>>
        %dma_start3A_121 = tpu.memref_squeeze %dma_start3A_120 : memref<1x!tpu.dma_semaphore, #tpu.memory_space<semaphore_mem>> -> memref<!tpu.dma_semaphore, #tpu.memory_space<semaphore_mem>>
        %dma_start3A_122 = arith.constant 0 : i32
        %dma_start3A_123 = tpu.memref_slice %arg4[%add3A_111, %dma_start3A_122] : memref<106496x64xf32, #tpu.memory_space<hbm>> -> memref<256x64xf32, #tpu.memory_space<hbm>>
        %dma_start3A_124 = arith.constant 0 : i32
        %dma_start3A_125 = arith.constant 0 : i32
        %dma_start3A_126 = tpu.memref_slice %arg6[%dma_start3A_112, %dma_start3A_124, %dma_start3A_125] : memref<4x256x64xf32, #tpu.memory_space<vmem>> -> memref<1x256x64xf32, #tpu.memory_space<vmem>>
        %dma_start3A_127 = tpu.memref_squeeze %dma_start3A_126 : memref<1x256x64xf32, #tpu.memory_space<vmem>> -> memref<256x64xf32, #tpu.memory_space<vmem>>
        tpu.enqueue_dma source(%dma_start3A_127 : memref<256x64xf32, #tpu.memory_space<vmem>>) target(%dma_start3A_123 : memref<256x64xf32, #tpu.memory_space<hbm>>) target_semaphore(%dma_start3A_121 : memref<!tpu.dma_semaphore, #tpu.memory_space<semaphore_mem>>)
        %mul3A_128 = arith.constant 256 : i32
        %mul3A_129 = arith.muli %add3A_90, %mul3A_128 : i32
        %add3A_130 = arith.addi %mul3A_2, %mul3A_129 : i32
        %dma_wait3A_131 = arith.constant 3 : i32
        %dma_wait3A_132 = arith.constant 3 : i32
        %dma_wait3A_133 = arith.constant 0 : i32
        %dma_wait3A_134 = arith.constant 0 : i32
        %dma_wait3A_135 = tpu.memref_slice %arg6[%dma_wait3A_131, %dma_wait3A_133, %dma_wait3A_134] : memref<4x256x64xf32, #tpu.memory_space<vmem>> -> memref<1x256x64xf32, #tpu.memory_space<vmem>>
        %dma_wait3A_136 = tpu.memref_squeeze %dma_wait3A_135 : memref<1x256x64xf32, #tpu.memory_space<vmem>> -> memref<256x64xf32, #tpu.memory_space<vmem>>
        %dma_wait3A_137 = arith.constant 0 : i32
        %dma_wait3A_138 = tpu.memref_slice %arg4[%add3A_130, %dma_wait3A_137] : memref<106496x64xf32, #tpu.memory_space<hbm>> -> memref<256x64xf32, #tpu.memory_space<hbm>>
        %dma_wait3A_139 = tpu.memref_slice %arg8[%dma_wait3A_132] : memref<4x!tpu.dma_semaphore, #tpu.memory_space<semaphore_mem>> -> memref<1x!tpu.dma_semaphore, #tpu.memory_space<semaphore_mem>>
        %dma_wait3A_140 = tpu.memref_squeeze %dma_wait3A_139 : memref<1x!tpu.dma_semaphore, #tpu.memory_space<semaphore_mem>> -> memref<!tpu.dma_semaphore, #tpu.memory_space<semaphore_mem>>
        %dma_wait3A_141 = arith.constant 0 : i32
        %dma_wait3A_142 = tpu.memref_slice %arg4[%add3A_130, %dma_wait3A_141] : memref<106496x64xf32, #tpu.memory_space<hbm>> -> memref<256x64xf32, #tpu.memory_space<hbm>>
        %dma_wait3A_143 = arith.constant 0 : i32
        %dma_wait3A_144 = arith.constant 0 : i32
        %dma_wait3A_145 = tpu.memref_slice %arg6[%dma_wait3A_131, %dma_wait3A_143, %dma_wait3A_144] : memref<4x256x64xf32, #tpu.memory_space<vmem>> -> memref<1x256x64xf32, #tpu.memory_space<vmem>>
        %dma_wait3A_146 = tpu.memref_squeeze %dma_wait3A_145 : memref<1x256x64xf32, #tpu.memory_space<vmem>> -> memref<256x64xf32, #tpu.memory_space<vmem>>
        tpu.wait_dma2 semaphore(%dma_wait3A_140 : memref<!tpu.dma_semaphore, #tpu.memory_space<semaphore_mem>>) src(%dma_wait3A_146 : memref<256x64xf32, #tpu.memory_space<vmem>>) dst(%dma_wait3A_142 : memref<256x64xf32, #tpu.memory_space<hbm>>)
        %add3A_147 = arith.constant 4 : i32
        %add3A_148 = arith.addi %add3A_90, %add3A_147 : i32
        %lt3A_149 = arith.constant 13 : i32
        %lt3A_150 = arith.cmpi slt, %add3A_148, %lt3A_149 : i32
        %convert_element_type3A_151 = arith.extui %lt3A_150 : i1 to i32
        %cond3A_152 = arith.constant 0 : i32
        %cond3A_153 = arith.cmpi ne, %convert_element_type3A_151, %cond3A_152 : i32
        scf.if %cond3A_153 {
          %dma_start3A_154 = arith.constant 3 : i32
          %dma_start3A_155 = arith.constant 3 : i32
          %dma_start3A_156 = arith.constant 0 : i32
          %dma_start3A_157 = arith.constant 0 : i32
          %dma_start3A_158 = tpu.memref_slice %arg6[%dma_start3A_154, %dma_start3A_156, %dma_start3A_157] : memref<4x256x64xf32, #tpu.memory_space<vmem>> -> memref<1x256x64xf32, #tpu.memory_space<vmem>>
          %dma_start3A_159 = tpu.memref_squeeze %dma_start3A_158 : memref<1x256x64xf32, #tpu.memory_space<vmem>> -> memref<256x64xf32, #tpu.memory_space<vmem>>
          %dma_start3A_160 = arith.constant 0 : i32
          %dma_start3A_161 = tpu.memref_slice %arg5[%add3A_148, %dma_start3A_160] : memref<13x256xi32, #tpu.memory_space<vmem>> -> memref<1x256xi32, #tpu.memory_space<vmem>>
          %dma_start3A_162 = tpu.memref_squeeze %dma_start3A_161 : memref<1x256xi32, #tpu.memory_space<vmem>> -> memref<256xi32, #tpu.memory_space<vmem>>
          %dma_start3A_163 = arith.constant 0 : i32
          %dma_start3A_164 = arith.constant 0 : i32
          %dma_start3A_165 = tpu.memref_slice %arg2[%dma_start3A_163, %dma_start3A_164] : memref<100000x64xf32, #tpu.memory_space<hbm>> -> memref<100000x64xf32, #tpu.memory_space<hbm>>
          %dma_start3A_166 = tpu.memref_slice %arg7[%dma_start3A_155] : memref<4x!tpu.dma_semaphore, #tpu.memory_space<semaphore_mem>> -> memref<1x!tpu.dma_semaphore, #tpu.memory_space<semaphore_mem>>
          %dma_start3A_167 = tpu.memref_squeeze %dma_start3A_166 : memref<1x!tpu.dma_semaphore, #tpu.memory_space<semaphore_mem>> -> memref<!tpu.dma_semaphore, #tpu.memory_space<semaphore_mem>>
          tpu.enqueue_indirect_dma source(%dma_start3A_165 : memref<100000x64xf32, #tpu.memory_space<hbm>>) target(%dma_start3A_159 : memref<256x64xf32, #tpu.memory_space<vmem>>) offsets(%dma_start3A_162 : memref<256xi32, #tpu.memory_space<vmem>>) semaphore(%dma_start3A_167 : memref<!tpu.dma_semaphore, #tpu.memory_space<semaphore_mem>>)
        } else {
        }
      } else {
      }
    }
    %scan3A_65 = arith.constant 4 : i32
    return
  }
}

module attributes {stable_mosaic.version = 14 : i64} {
  func.func @_tc_c_body(%arg0: i32, %arg1: memref<1664x128xf32, #tpu.memory_space<vmem>>, %arg2: memref<1664x128xf32, #tpu.memory_space<vmem>>) attributes {dimension_semantics = [#tpu.dimension_semantics<arbitrary>], iteration_bounds = array<i64: 32>, scalar_prefetch = 0 : i64, scratch_operands = 0 : i64, tpu.core_type = #tpu.core_type<tc>, window_params = [{transform_indices = @transform_0, window_bounds = array<i64: 1664, 128>}, {transform_indices = @transform_1, window_bounds = array<i64: 1664, 128>}]} {
    %get3A = arith.constant 0 : index
    %get3A_0 = arith.constant 0 : index
    %get3A_1 = vector.load %arg1[%get3A, %get3A_0] : memref<1664x128xf32, #tpu.memory_space<vmem>>, vector<1664x128xf32>
    %reshape3A = vector.shape_cast %get3A_1 : vector<1664x128xf32> to vector<128x1664xf32>
    %transpose3A = tpu.transpose %reshape3A, [1, 0] : vector<128x1664xf32> -> vector<1664x128xf32>
    %swap3A = arith.constant 0 : index
    %swap3A_2 = arith.constant 0 : index
    %swap3A_3 = vector.load %arg2[%swap3A, %swap3A_2] : memref<1664x128xf32, #tpu.memory_space<vmem>>, vector<1664x128xf32>
    tpu.vector_store %arg2[%swap3A, %swap3A_2], %transpose3A {strides = array<i32>} : memref<1664x128xf32, #tpu.memory_space<vmem>>, vector<1664x128xf32>,
    return
  }
  func.func @transform_0(%arg0: i32) -> (i32, i32) {
    %c0_i32 = arith.constant 0 : i32
    %c0_i32_0 = arith.constant 0 : i32
    return %arg0, %c0_i32 : i32, i32
  }
  func.func @transform_1(%arg0: i32) -> (i32, i32) {
    %c0_i32 = arith.constant 0 : i32
    %c0_i32_0 = arith.constant 0 : i32
    return %c0_i32, %arg0 : i32, i32
  }
}

</mosaic_0001>

<sc_bundles>
// kernel: kernel.4.cloned.1.call-start
scs
__scs_entry_jumppad:
0x0: {  	(pc) =	sbr.rel $0x88, $3  }
0x1: {  	(tag) =	ssettag $0x0;
	lr =	simm.s32 $0x1  }
0x2: {  	[smem:$0x3F9F] =	sst lr;
	_ =	strace $0xD0000000  }
0x3: {  	_ = 	snop  }
0x4: {  	_ = 	snop  }
0x5: {  	_ = 	snop  }
0x6: {  	_ = 	snop  }
0x7: {  	_ = 	snop  }
__scs_overlays_trampoline_lowered:
0x8: {  	[smem:$0x3FAE] =	sst s0  }
0x9: {  	[smem:$0x3FAF] =	sst s1  }
0xa: {  	[smem:$0x3FB0] =	sst s2  }
0xb: {  	[smem:$0x3FB1] =	sst s3  }
0xc: {  	[smem:$0x3FB2] =	sst s4  }
0xd: {  	[smem:$0x3FB3] =	sst s5  }
0xe: {  	[smem:$0x3FB4] =	sst s6  }
0xf: {  	[smem:$0x3FB5] =	sst s7  }
0x10: {  	[smem:$0x3FB6] =	sst s8  }
0x11: {  	[smem:$0x3FB7] =	sst s9;
	s0 =	simm.s32 @!p0 $0x0  }
0x12: {  	s1 =	sld [smem:$0x3F9D];
	s0 =	simm.s32 @p0 $0x1  }
0x13: {  	[smem:$0x3FB8] =	sst s0;
	s0 =	simm.s32 @!p1 $0x0  }
0x14: {  	s2 =	sld [smem:$0x3F9C];
	s0 =	simm.s32 @p1 $0x1  }
0x15: {  	[smem:$0x3FB9] =	sst s0;
	s0 =	simm.s32 @!p2 $0x0  }
0x16: {  	s3 =	sld [smem:$0x3FDB];
	s0 =	simm.s32 @p2 $0x1  }
0x17: {  	s4 =	simm.s32 $0x1BF5;
	[smem:$0x3FBB] =	sst s0  }
0x18: {  	s0 =	sld [smem:$0x3F9E];
	_ =	swait.ge [sflag:s4], $0x0  }
0x19: {  	s7 =	sld [smem:$0x3F9F]  }
0x1a: {  	s8 =	sadd.s32 $0xFFFFE003, lr  }
0x1b: {  	s9 =	sadd.s32 $0xFFFFFEF7, lr;
	s5 =	simm.s32 $0xFFFFFFFF;
	p2 =	slt.u32 s8, $0xFFFFF086  }
0x1c: {  	p1 =	slt.u32 s9, $0xF7A;
	s5 =	simm.s32 @!p2 $0x0  }
0x1d: {  	s5 =	simm.s32 @p1 $0x1;
	p0 =	seq.s32 s7, s2  }
0x1e: {  	s7 =	smul.u32 @!p0 $0xF7A, s2;
	p2 =	seq.s32 @!p0 s5, $0x0  }
0x1f: {  	s9 =	smul.u32 $0xF7A, s1;
	s8 =	simm.s32 @!p0 $0x1BF5;
	p2 =	por !p2, p0  }
0x20: {  	[sflag:s8] =	ssyncset.s32 @!p0 $0xFFFFF086;
	s6 =	sadd.s32 @!p0 s3, s7;
	s7 =	simm.s32 @!p0 $0x108  }
0x21: {  	s3 =	sadd.s32 s3, s9;
	s6 =	sadd.s32 @!p0 $0x88, s6;
	s7 =	simm.s32 @p2 $0x1082  }
0x22: {  	[simem:s7], [sflag:s8] =	dma.local @!p0 [hbm:s6], $0xF7A  }
0x23: {  	s9 =	sor.u32 $0xD0000000, s2;
	s6 =	simm.s32 $0x108;
	_ =	swait.ge @!p0 [sflag:s8], $0x0  }
0x24: {  	s3 =	sadd.s32 $0x88, s3;
	s6 =	simm.s32 @!p1 $0x1082;
	[sflag:s4] =	ssyncset.s32 $0xFFFFF086  }
0x25: {  	[simem:s6], [sflag:s4] =	dma.local [hbm:s3], $0xF7A  }
0x26: {  	[smem:$0x3F9F] =	sst s1;
	(tag) =	ssettag s2;
	_ =	strace s9  }
0x27: {  	s1 =	sld [smem:$0x3FAF]  }
0x28: {  	s2 =	sld [smem:$0x3FB0]  }
0x29: {  	s4 =	sld [smem:$0x3FB2]  }
0x2a: {  	p0 =	seq.s32 s5, $0x0;
	s5 =	sld [smem:$0x3FB3]  }
0x2b: {  	s6 =	sld [smem:$0x3FB4]  }
0x2c: {  	s7 =	sld [smem:$0x3FB5]  }
0x2d: {  	s3 =	simm.s32 $0x108;
	s8 =	sld [smem:$0x3FB6]  }
0x2e: {  	s3 =	simm.s32 @!p0 $0x1082;
	s9 =	sld [smem:$0x3FB7]  }
0x2f: {  	lr =	sadd.s32 s0, s3;
	s0 =	sld [smem:$0x3FAE]  }
0x30: {  	s3 =	sld [smem:$0x3FB1]  }
0x31: {  	[smem:$0x3FBA] =	sst s10  }
0x32: {  	s10 =	sld [smem:$0x3FB8];
	_ =	sdelay $0x3  }
0x33: {  	p0 =	seq.s32 s10, $0x1;
	s10 =	sld [smem:$0x3FBA];
	_ =	sdelay $0x3  }
0x34: {  	[smem:$0x3FBA] =	sst s10  }
0x35: {  	s10 =	sld [smem:$0x3FB9];
	_ =	sdelay $0x3  }
0x36: {  	p1 =	seq.s32 s10, $0x1;
	s10 =	sld [smem:$0x3FBA];
	_ =	sdelay $0x3  }
0x37: {  	[smem:$0x3FBA] =	sst s10  }
0x38: {  	s10 =	sld [smem:$0x3FBB]  }
0x39: {  	_ = 	snop;
	(pc) =	sbr.ind lr, $3  }
0x3a: {  	_ = 	snop  }
0x3b: {  	_ = 	snop  }
0x3c: {  	p2 =	seq.s32 s10, $0x1;
	s10 =	sld [smem:$0x3FBA]  }
0x3d: {  	_ =	shalt  }
0x3e: {  	_ =	shalt  }
0x3f: {  	_ =	shalt  }
0x40: {  	_ =	shalt  }
0x41: {  	_ =	shalt  }
0x42: {  	_ =	shalt  }
0x43: {  	_ =	shalt  }
0x44: {  	_ =	shalt  }
0x45: {  	_ =	shalt  }
0x46: {  	_ =	shalt  }
0x47: {  	_ =	shalt  }
0x48: {  	_ =	shalt  }
0x49: {  	_ =	shalt  }
0x4a: {  	_ =	shalt  }
0x4b: {  	_ =	shalt  }
0x4c: {  	_ =	shalt  }
0x4d: {  	_ =	shalt  }
0x4e: {  	_ =	shalt  }
0x4f: {  	_ =	shalt  }
0x50: {  	_ =	shalt  }
0x51: {  	_ =	shalt  }
0x52: {  	_ =	shalt  }
0x53: {  	_ =	shalt  }
0x54: {  	_ =	shalt  }
0x55: {  	_ =	shalt  }
0x56: {  	_ =	shalt  }
0x57: {  	_ =	shalt  }
0x58: {  	_ =	shalt  }
0x59: {  	_ =	shalt  }
0x5a: {  	_ =	shalt  }
0x5b: {  	_ =	shalt  }
0x5c: {  	_ =	shalt  }
0x5d: {  	_ =	shalt  }
0x5e: {  	_ =	shalt  }
0x5f: {  	_ =	shalt  }
0x60: {  	_ =	shalt  }
0x61: {  	_ =	shalt  }
0x62: {  	_ =	shalt  }
0x63: {  	_ =	shalt  }
0x64: {  	_ =	shalt  }
0x65: {  	_ =	shalt  }
0x66: {  	_ =	shalt  }
0x67: {  	_ =	shalt  }
0x68: {  	_ =	shalt  }
0x69: {  	_ =	shalt  }
0x6a: {  	_ =	shalt  }
0x6b: {  	_ =	shalt  }
0x6c: {  	_ =	shalt  }
0x6d: {  	_ =	shalt  }
0x6e: {  	_ =	shalt  }
0x6f: {  	_ =	shalt  }
0x70: {  	_ =	shalt  }
0x71: {  	_ =	shalt  }
0x72: {  	_ =	shalt  }
0x73: {  	_ =	shalt  }
0x74: {  	_ =	shalt  }
0x75: {  	_ =	shalt  }
0x76: {  	_ =	shalt  }
0x77: {  	_ =	shalt  }
0x78: {  	_ =	shalt  }
0x79: {  	_ =	shalt  }
0x7a: {  	_ =	shalt  }
0x7b: {  	_ =	shalt  }
0x7c: {  	_ =	shalt  }
0x7d: {  	_ =	shalt  }
0x7e: {  	_ =	shalt  }
0x7f: {  	_ =	shalt  }
0x80: {  	_ =	shalt  }
0x81: {  	_ =	shalt  }
0x82: {  	_ =	shalt  }
0x83: {  	_ =	shalt  }
0x84: {  	_ =	shalt  }
0x85: {  	_ =	shalt  }
0x86: {  	_ =	shalt  }
0x87: {  	_ =	shalt  }
.Lfunc_end0:
.L_simem_size_0:
called_computation_lowered:
.L_overlay_start_0:
0x88: {  	s2 =	sld [smem:$0x3FD9]  }
0x89: {  	s3 =	sld [smem:$0x3FFE];
	_ =	sdelay $0x1  }
0x8a: {  	s1 =	srdreg.scid  }
0x8b: {  	s0 =	sand.u32 $0x1, s1  }
0x8c: {  	s17 =	sshll.u32 s0, $0xA;
	s2 =	sadd.s32 s3, s2  }
0x8d: {  	s2 =	sadd.s32 s2, s17  }
0x8e: {  	[smem:$0x3FC6] =	sst s2  }
0x8f: {  	_ = 	snop  }
0x90: {  	s2 =	sld [smem:$0x3FD0];
	(tm) =	ssettm $0x1  }
0x91: {  	s18 =	sld [smem:$0x3FFB];
	_ =	sdelay $0x3  }
0x92: {  	_ =	strace s18  }
0x93: {  	s3 =	sld [smem:$0x3FFC];
	_ =	sdelay $0x3  }
0x94: {  	_ =	strace s3  }
0x95: {  	s3 =	sld [smem:$0x3FFD];
	_ =	sdelay $0x3  }
0x96: {  	_ =	strace s3  }
0x97: {  	_ =	strace $0x8FFFFFFF  }
0x98: {  	s19 =	sld [smem:$0x3FDB];
	_ =	sdelay $0x1  }
0x99: {  	s4 =	simm.s32 $_scs_section_size  }
0x9a: {  	s5 =	simm.s32 $_size__tile_overlayer_lowered;
	s6 =	simm.s32 $_tile_overlayer_lowered  }
0x9b: {  	s22 =	simm.s32 $0x1BFF;
	s21 =	sshll.u32 s6, $0x1;
	s3 =	sadd.s32 s4, s19  }
0x9c: {  	s7 =	simm.s32 $0x0;
	s20 =	sshll.u32 s5, $0x1;
	s5 =	sadd.s32 s21, s3  }
0x9d: {  	[timem:s7], [sflag:s22] =	dma.local [hbm:s5], s20  }
0x9e: {  	_ =	swait.ge [sflag:s22], s20  }
0x9f: {  	s4 =	ssub.s32 $0x0, s20;
	[sflag:s22] =	ssyncset.done $0x0  }
0xa0: {  	[sflag:s22] =	ssyncadd.s32 s4;
	_ =	sdelay $0x1  }
0xa1: {  	s23 =	simm.s32 $0x1B8B  }
0xa2: {  	_ =	swait.ge [sflag:s23], $0x1  }
0xa3: {  	[sflag:s23] =	ssyncset.done $0x0  }
0xa4: {  	s25 =	simm.s32 $0x1B8E;
	s24 =	sld [smem:$0x3FFE];
	[sflag:s23] =	ssyncadd.s32 $0xFFFFFFFF  }
0xa5: {  	s26 =	simm.s32 $execute0_lowered;
	[smem:$0x3FD2] =	sst s25  }
0xa6: {  	s5 =	sshll.u32 s26, $0x1;
	_ =	strace $0x80000046;
	[dreg:$0x1] =	wrdreg $0xFFFFFFFF  }
0xa7: {  	s28 =	simm.s32 $_size_execute0_lowered;
	s3 =	sadd.s32 s3, s5;
	[dreg:$0x0] =	wrdreg $0x0  }
0xa8: {  	s5 =	sshll.u32 s28, $0x1;
	[dreg:$0x2] =	wrdreg s3  }
0xa9: {  	[dreg:$0x3] =	wrdreg s5  }
0xaa: {  	[dreg:$0x4] =	wrdreg $0xC0  }
0xab: {  	_ =	task [dreg:s7], $0x5FFFF  }
0xac: {  	[dreg:$0x1] =	wrdreg $0xFFFFFFFF  }
0xad: {  	[dreg:$0x0] =	wrdreg $0x60  }
0xae: {  	[dreg:$0x2] =	wrdreg s2  }
0xaf: {  	[dreg:$0x3] =	wrdreg s24  }
0xb0: {  	[dreg:$0x4] =	wrdreg $0x9  }
0xb1: {  	_ =	task.clear_ibuf [dreg:s7], $0x5FFFF;
	_ =	strace $0x90000046  }
0xb2: {  	s29 =	simm.s32 $0x9;
	_ =	strace $0x80000048  }
0xb3: {  	_ =	swait.ge [sflag:s29], $0x1  }
0xb4: {  	[sflag:s29] =	ssyncadd.s32 $0xFFFFFFFF  }
0xb5: {  	_ =	strace $0x90000048  }
0xb6: {  	_ =	sfence  }
0xb7: {  	s30 =	sld [smem:$0x0];
	_ =	sdelay $0x2  }
0xb8: {  	s31 =	sshll.u32 s1, $0xD;
	s1 =	sshrl.u32 s1, $0x2  }
0xb9: {  	s3 =	sand.u32 $0x4000, s31;
	s1 =	sadd.s32 s1, s30  }
0xba: {  	s0 =	sor.u32 s3, s0;
	s1 =	sshll.u32 s1, $0x11  }
0xbb: {  	s0 =	sor.u32 s1, s0  }
0xbc: {  	s0 =	sadd.s32 $0x8F2B, s0  }
0xbd: {  	[sflag:s0] =	ssyncadd.remote.s32 $0x1  }
0xbe: {  	_ =	sfence.sel $0xFFFF  }
0xbf: {  	[dreg:$0x0] =	wrdreg $0xFFFFFFFF;
	(pc) =	sbr.abs _section_cstart, $3  }
0xc0: {  	[dreg:$0x1] =	wrdreg $0xFFFFFFFF  }
0xc1: {  	_ =	task.clear_ibuf [dreg:s7], $0x2FFFF;
	_ =	strace $0x9FFFFFFF  }
0xc2: {  	(tm) =	ssettm $0x7FFFFFFF  }
0xc3: {  	_ =	shalt  }
tec
execute0_lowered:
.L_overlay_start_1:
0x0: {  	(tag) =	ssettag $0x1  }
0x1: {  	s0 =	srdreg.scid  }
0x2: {  	s1 =	stileid.u32;
	s3 =	rddreg [dreg:$0x0]  }
0x3: {  	s5 =	rddreg [dreg:$0x1];
	s2 =	simm.s32 $0x0;
	s29 =	simm.s32 $0x9  }
0x4: {  	s12 =	simm.s32 $0x4D00;
	s0 =	sand.u32 $0x1, s0;
	s1 =	sshll.u32 s1, $0x1  }
0x5: {  	s30 =	simm.s32 $0x200;
	s10 =	simm.s32 $0x8D00;
	s1 =	sor.u32 s0, s1  }
0x6: {  	s31 =	simm.s32 $0x300;
	s9 =	simm.s32 $0xCD00;
	s4 =	smul.u32 $0x1A0, s1  }
0x7: {  	s8 =	simm.s32 $0x1;
	s7 =	simm.s32 $0x5;
	s1 =	smul.u32 $0x34000, s1  }
0x8: {  	s28 =	simm.s32 $0x400;
	s14 =	simm.s32 $0x7;
	s13 =	simm.s32 $0x4  }
0x9: {  	s11 =	simm.s32 $0x8;
	s4 =	sadd.s32 s4, s5;
	s1 =	sshrl.u32 s1, $0x3  }
0xa: {  	[smem:$0x7FF] =	sst s2;
	s1 =	sadd.s32 s1, s5;
	s4 =	sadd.s32 $0x600, s4  }
0xb: {  	_ =	strace $0x80000047;
	[dreg:$0x3] =	wrdreg s4;
	s15 =	sadd.s32 $0x3A00, s1  }
0xc: {  	p0 =	por $0x0, $0x0;
	s16 =	sadd.s32 $0x4200, s1;
	[dreg:$0x4] =	wrdreg s15  }
0xd: {  	s0 =	ssub.s32 $0x2, s0;
	s17 =	sadd.s32 $0x4A00, s1;
	[dreg:$0x5] =	wrdreg s16  }
0xe: {  	s24 =	sshrl.u32 s0, $0x1;
	s18 =	sadd.s32 $0x5200, s1;
	[dreg:$0x6] =	wrdreg s17  }
0xf: {  	s0 =	ssub.s32 s0, s24;
	s19 =	sadd.s32 $0x5A00, s1;
	[dreg:$0x7] =	wrdreg s18  }
0x10: {  	s24 =	simm.s32 $0x700;
	s20 =	sadd.s32 $0x6200, s1;
	[dreg:$0x8] =	wrdreg s19  }
0x11: {  	s0 =	smax.u32 s0, $0x1;
	s21 =	sadd.s32 $0x6A00, s1;
	[dreg:$0x9] =	wrdreg s20  }
0x12: {  	s5 =	simm.s32 $0xD00;
	s22 =	sadd.s32 $0x7200, s1;
	[dreg:$0xa] =	wrdreg s21  }
0x13: {  	p1 =	sne.s32 s0, $0x1;
	s23 =	sadd.s32 $0x7A00, s1;
	[dreg:$0xb] =	wrdreg s22  }
0x14: {  	s25 =	sadd.s32 $0x8200, s1;
	s26 =	sadd.s32 $0x8A00, s1;
	[dreg:$0xc] =	wrdreg s23  }
0x15: {  	s6 =	sadd.s32 $0x9200, s1;
	s4 =	sadd.s32 $0x9A00, s1;
	[dreg:$0xd] =	wrdreg s25  }
.Ltmp0:
0x16: {  	s1 =	sadd.s32 $0xFFFFFFFF, s0;
	[dreg:$0xe] =	wrdreg s26;
	(pc) =	sbr.rel @!p1 .LBB2_3-.Ltmp0, $4  }
0x17: {  	s15 =	simm.s32 $0x100;
	s18 =	simm.s32 $0x2;
	s17 =	simm.s32 $0x6  }
0x18: {  	s26 =	simm.s32 $0x500;
	s16 =	simm.s32 $0x3;
	s25 =	simm.s32 $0x600  }
0x19: {  	s23 =	simm.s32 $0x800;
	s22 =	simm.s32 $0x900;
	s21 =	simm.s32 $0xA00  }
0x1a: {  	s20 =	simm.s32 $0xB00;
	s19 =	simm.s32 $0xC00;
	s0 =	rddreg [dreg:$0x3]  }
0x1b: {  	[tilespmem:s2], [sflag:$0x9] =	stream.linear.gather [hbm4b:s0+s2], $0xD00, $0x38;
	[tilespmem:$0x10D00] =	vst v63  }
0x1c: {  	_ =	swait.ge [sflag:s29], $0xD00  }
0x1d: {  	[sflag:s29] =	ssyncset.done $0x0  }
0x1e: {  	[sflag:s29] =	ssyncadd.s32 $0xFFFFF300  }
0x1f: {  	[tilespmem:s5], [sflag:$0x1] =	stream.indirect.gather [hbm4b:s3+s15], $0x40, s2, s15, $0xb8;
	[tilespmem:$0x10D00] =	vst v63  }
0x20: {  	_ = 	snop  }
0x21: {  	[tilespmem:s12], [sflag:$0x2] =	stream.indirect.gather [hbm4b:s3+s15], $0x40, s15, s15, $0xb8;
	[tilespmem:$0x10D00] =	vst v63  }
0x22: {  	_ = 	snop  }
0x23: {  	[tilespmem:s10], [sflag:$0x3] =	stream.indirect.gather [hbm4b:s3+s15], $0x40, s30, s15, $0xb8;
	[tilespmem:$0x10D00] =	vst v63  }
0x24: {  	_ = 	snop  }
0x25: {  	[tilespmem:s9], [sflag:$0x4] =	stream.indirect.gather [hbm4b:s3+s15], $0x40, s31, s15, $0xb8;
	[tilespmem:$0x10D00] =	vst v63  }
0x26: {  	_ =	swait.ge [sflag:s8], $0x4000  }
0x27: {  	[sflag:s8] =	ssyncset.done $0x0  }
0x28: {  	s0 =	rddreg [dreg:$0x4];
	[sflag:s8] =	ssyncadd.s32 $0xFFFFC000  }
0x29: {  	[hbm4b:s0+s2] =	stream.linear.scatter [tilespmem:s5], [sflag:$0x5], $0x4000, $0x38;
	[tilespmem:$0x10D00] =	vst v63  }
0x2a: {  	_ =	swait.ge [sflag:s7], $0x4000  }
0x2b: {  	[sflag:s7] =	ssyncset.done $0x0  }
0x2c: {  	[sflag:s7] =	ssyncadd.s32 $0xFFFFC000  }
0x2d: {  	[tilespmem:s5], [sflag:$0x1] =	stream.indirect.gather [hbm4b:s3+s15], $0x40, s28, s15, $0xb8;
	[tilespmem:$0x10D00] =	vst v63  }
0x2e: {  	_ =	swait.ge [sflag:s18], $0x4000  }
0x2f: {  	[sflag:s18] =	ssyncset.done $0x0  }
0x30: {  	s0 =	rddreg [dreg:$0x5];
	[sflag:s18] =	ssyncadd.s32 $0xFFFFC000  }
0x31: {  	[hbm4b:s0+s2] =	stream.linear.scatter [tilespmem:s12], [sflag:$0x6], $0x4000, $0x38;
	[tilespmem:$0x10D00] =	vst v63  }
0x32: {  	_ =	swait.ge [sflag:s17], $0x4000  }
0x33: {  	[sflag:s17] =	ssyncset.done $0x0  }
0x34: {  	[sflag:s17] =	ssyncadd.s32 $0xFFFFC000  }
0x35: {  	[tilespmem:s12], [sflag:$0x2] =	stream.indirect.gather [hbm4b:s3+s15], $0x40, s26, s15, $0xb8;
	[tilespmem:$0x10D00] =	vst v63  }
0x36: {  	_ =	swait.ge [sflag:s16], $0x4000  }
0x37: {  	[sflag:s16] =	ssyncset.done $0x0  }
0x38: {  	s0 =	rddreg [dreg:$0x6];
	[sflag:s16] =	ssyncadd.s32 $0xFFFFC000  }
0x39: {  	[hbm4b:s0+s2] =	stream.linear.scatter [tilespmem:s10], [sflag:$0x7], $0x4000, $0x38;
	[tilespmem:$0x10D00] =	vst v63  }
0x3a: {  	_ =	swait.ge [sflag:s14], $0x4000  }
0x3b: {  	[sflag:s14] =	ssyncset.done $0x0  }
0x3c: {  	[sflag:s14] =	ssyncadd.s32 $0xFFFFC000  }
0x3d: {  	[tilespmem:s10], [sflag:$0x3] =	stream.indirect.gather [hbm4b:s3+s15], $0x40, s25, s15, $0xb8;
	[tilespmem:$0x10D00] =	vst v63  }
0x3e: {  	_ =	swait.ge [sflag:s13], $0x4000  }
0x3f: {  	[sflag:s13] =	ssyncset.done $0x0  }
0x40: {  	s0 =	rddreg [dreg:$0x7];
	[sflag:s13] =	ssyncadd.s32 $0xFFFFC000  }
0x41: {  	[hbm4b:s0+s2] =	stream.linear.scatter [tilespmem:s9], [sflag:$0x8], $0x4000, $0x38;
	[tilespmem:$0x10D00] =	vst v63  }
0x42: {  	_ =	swait.ge [sflag:s11], $0x4000  }
0x43: {  	[sflag:s11] =	ssyncset.done $0x0  }
0x44: {  	[sflag:s11] =	ssyncadd.s32 $0xFFFFC000  }
0x45: {  	[tilespmem:s9], [sflag:$0x4] =	stream.indirect.gather [hbm4b:s3+s15], $0x40, s24, s15, $0xb8;
	[tilespmem:$0x10D00] =	vst v63  }
0x46: {  	_ =	swait.ge [sflag:s8], $0x4000  }
0x47: {  	[sflag:s8] =	ssyncset.done $0x0  }
0x48: {  	s0 =	rddreg [dreg:$0x8];
	[sflag:s8] =	ssyncadd.s32 $0xFFFFC000  }
0x49: {  	[hbm4b:s0+s2] =	stream.linear.scatter [tilespmem:s5], [sflag:$0x5], $0x4000, $0x38;
	[tilespmem:$0x10D00] =	vst v63  }
0x4a: {  	_ =	swait.ge [sflag:s7], $0x4000  }
0x4b: {  	[sflag:s7] =	ssyncset.done $0x0  }
0x4c: {  	[sflag:s7] =	ssyncadd.s32 $0xFFFFC000  }
0x4d: {  	[tilespmem:s5], [sflag:$0x1] =	stream.indirect.gather [hbm4b:s3+s15], $0x40, s23, s15, $0xb8;
	[tilespmem:$0x10D00] =	vst v63  }
0x4e: {  	_ =	swait.ge [sflag:s18], $0x4000  }
0x4f: {  	[sflag:s18] =	ssyncset.done $0x0  }
0x50: {  	s0 =	rddreg [dreg:$0x9];
	[sflag:s18] =	ssyncadd.s32 $0xFFFFC000  }
0x51: {  	[hbm4b:s0+s2] =	stream.linear.scatter [tilespmem:s12], [sflag:$0x6], $0x4000, $0x38;
	[tilespmem:$0x10D00] =	vst v63  }
0x52: {  	_ =	swait.ge [sflag:s17], $0x4000  }
0x53: {  	[sflag:s17] =	ssyncset.done $0x0  }
0x54: {  	[sflag:s17] =	ssyncadd.s32 $0xFFFFC000  }
0x55: {  	[tilespmem:s12], [sflag:$0x2] =	stream.indirect.gather [hbm4b:s3+s15], $0x40, s22, s15, $0xb8;
	[tilespmem:$0x10D00] =	vst v63  }
0x56: {  	_ =	swait.ge [sflag:s16], $0x4000  }
0x57: {  	[sflag:s16] =	ssyncset.done $0x0  }
0x58: {  	s0 =	rddreg [dreg:$0xa];
	[sflag:s16] =	ssyncadd.s32 $0xFFFFC000  }
0x59: {  	[hbm4b:s0+s2] =	stream.linear.scatter [tilespmem:s10], [sflag:$0x7], $0x4000, $0x38;
	[tilespmem:$0x10D00] =	vst v63  }
0x5a: {  	_ =	swait.ge [sflag:s14], $0x4000  }
0x5b: {  	[sflag:s14] =	ssyncset.done $0x0  }
0x5c: {  	[sflag:s14] =	ssyncadd.s32 $0xFFFFC000  }
0x5d: {  	[tilespmem:s10], [sflag:$0x3] =	stream.indirect.gather [hbm4b:s3+s15], $0x40, s21, s15, $0xb8;
	[tilespmem:$0x10D00] =	vst v63  }
0x5e: {  	_ =	swait.ge [sflag:s13], $0x4000  }
0x5f: {  	[sflag:s13] =	ssyncset.done $0x0  }
0x60: {  	s0 =	rddreg [dreg:$0xb];
	[sflag:s13] =	ssyncadd.s32 $0xFFFFC000  }
0x61: {  	[hbm4b:s0+s2] =	stream.linear.scatter [tilespmem:s9], [sflag:$0x8], $0x4000, $0x38;
	[tilespmem:$0x10D00] =	vst v63  }
0x62: {  	_ =	swait.ge [sflag:s11], $0x4000  }
0x63: {  	[sflag:s11] =	ssyncset.done $0x0  }
0x64: {  	[sflag:s11] =	ssyncadd.s32 $0xFFFFC000  }
0x65: {  	[tilespmem:s9], [sflag:$0x4] =	stream.indirect.gather [hbm4b:s3+s15], $0x40, s20, s15, $0xb8;
	[tilespmem:$0x10D00] =	vst v63  }
0x66: {  	_ =	swait.ge [sflag:s8], $0x4000  }
0x67: {  	[sflag:s8] =	ssyncset.done $0x0  }
0x68: {  	s0 =	rddreg [dreg:$0xc];
	[sflag:s8] =	ssyncadd.s32 $0xFFFFC000  }
0x69: {  	[hbm4b:s0+s2] =	stream.linear.scatter [tilespmem:s5], [sflag:$0x5], $0x4000, $0x38;
	[tilespmem:$0x10D00] =	vst v63  }
0x6a: {  	_ =	swait.ge [sflag:s7], $0x4000  }
0x6b: {  	[sflag:s7] =	ssyncset.done $0x0  }
0x6c: {  	[sflag:s7] =	ssyncadd.s32 $0xFFFFC000  }
0x6d: {  	[tilespmem:s5], [sflag:$0x1] =	stream.indirect.gather [hbm4b:s3+s15], $0x40, s19, s15, $0xb8;
	[tilespmem:$0x10D00] =	vst v63  }
0x6e: {  	_ =	swait.ge [sflag:s18], $0x4000  }
0x6f: {  	[sflag:s18] =	ssyncset.done $0x0  }
0x70: {  	s0 =	rddreg [dreg:$0xd];
	[sflag:s18] =	ssyncadd.s32 $0xFFFFC000  }
0x71: {  	[hbm4b:s0+s2] =	stream.linear.scatter [tilespmem:s12], [sflag:$0x6], $0x4000, $0x38;
	[tilespmem:$0x10D00] =	vst v63  }
0x72: {  	_ =	swait.ge [sflag:s17], $0x4000  }
0x73: {  	[sflag:s17] =	ssyncset.done $0x0  }
0x74: {  	[sflag:s17] =	ssyncadd.s32 $0xFFFFC000  }
0x75: {  	_ =	swait.ge [sflag:s16], $0x4000  }
0x76: {  	[sflag:s16] =	ssyncset.done $0x0  }
0x77: {  	s0 =	rddreg [dreg:$0xe];
	[sflag:s16] =	ssyncadd.s32 $0xFFFFC000  }
0x78: {  	[hbm4b:s0+s2] =	stream.linear.scatter [tilespmem:s10], [sflag:$0x7], $0x4000, $0x38;
	[tilespmem:$0x10D00] =	vst v63  }
0x79: {  	_ =	swait.ge [sflag:s14], $0x4000  }
0x7a: {  	[sflag:s14] =	ssyncset.done $0x0  }
0x7b: {  	[sflag:s14] =	ssyncadd.s32 $0xFFFFC000  }
0x7c: {  	_ =	swait.ge [sflag:s13], $0x4000  }
0x7d: {  	[sflag:s13] =	ssyncset.done $0x0  }
0x7e: {  	[sflag:s13] =	ssyncadd.s32 $0xFFFFC000  }
0x7f: {  	[hbm4b:s6+s2] =	stream.linear.scatter [tilespmem:s9], [sflag:$0x8], $0x4000, $0x38;
	[tilespmem:$0x10D00] =	vst v63  }
0x80: {  	_ =	swait.ge [sflag:s11], $0x4000  }
0x81: {  	[sflag:s11] =	ssyncset.done $0x0  }
0x82: {  	[sflag:s11] =	ssyncadd.s32 $0xFFFFC000  }
0x83: {  	p1 =	sne.s32 s1, $0x1;
	_ =	swait.ge [sflag:s8], $0x4000  }
.Ltmp1:
0x84: {  	[sflag:s8] =	ssyncset.done $0x0;
	(pc) =	sbr.rel @!p1 .LBB2_3-.Ltmp1, $4  }
0x85: {  	[sflag:s8] =	ssyncadd.s32 $0xFFFFC000  }
0x86: {  	[hbm4b:s4+s2] =	stream.linear.scatter [tilespmem:s5], [sflag:$0x5], $0x4000, $0x38;
	[tilespmem:$0x10D00] =	vst v63  }
0x87: {  	s1 =	sadd.s32 $0xFFFFFFFF, s1;
	_ =	swait.ge [sflag:s7], $0x4000  }
0x88: {  	p0 =	por $0x1, $0x1;
	s0 =	rddreg [dreg:$0x3];
	[sflag:s7] =	ssyncset.done $0x0  }
.LBB2_2:
0x89: {  	[sflag:s7] =	ssyncadd.s32 $0xFFFFC000  }
0x8a: {  	[tilespmem:s2], [sflag:$0x9] =	stream.linear.gather [hbm4b:s0+s2], $0xD00, $0x38;
	[tilespmem:$0x10D00] =	vst v63  }
0x8b: {  	_ =	swait.ge [sflag:s29], $0xD00  }
0x8c: {  	[sflag:s29] =	ssyncset.done $0x0  }
0x8d: {  	[sflag:s29] =	ssyncadd.s32 $0xFFFFF300  }
0x8e: {  	[tilespmem:s5], [sflag:$0x1] =	stream.indirect.gather [hbm4b:s3+s15], $0x40, s2, s15, $0xb8;
	[tilespmem:$0x10D00] =	vst v63  }
0x8f: {  	_ = 	snop  }
0x90: {  	[tilespmem:s12], [sflag:$0x2] =	stream.indirect.gather [hbm4b:s3+s15], $0x40, s15, s15, $0xb8;
	[tilespmem:$0x10D00] =	vst v63  }
0x91: {  	_ = 	snop  }
0x92: {  	[tilespmem:s10], [sflag:$0x3] =	stream.indirect.gather [hbm4b:s3+s15], $0x40, s30, s15, $0xb8;
	[tilespmem:$0x10D00] =	vst v63  }
0x93: {  	_ = 	snop  }
0x94: {  	[tilespmem:s9], [sflag:$0x4] =	stream.indirect.gather [hbm4b:s3+s15], $0x40, s31, s15, $0xb8;
	[tilespmem:$0x10D00] =	vst v63  }
0x95: {  	_ =	swait.ge [sflag:s8], $0x4000  }
0x96: {  	[sflag:s8] =	ssyncset.done $0x0  }
0x97: {  	s0 =	rddreg [dreg:$0x4];
	[sflag:s8] =	ssyncadd.s32 $0xFFFFC000  }
0x98: {  	[hbm4b:s0+s2] =	stream.linear.scatter [tilespmem:s5], [sflag:$0x5], $0x4000, $0x38;
	[tilespmem:$0x10D00] =	vst v63  }
0x99: {  	_ =	swait.ge [sflag:s7], $0x4000  }
0x9a: {  	[sflag:s7] =	ssyncset.done $0x0  }
0x9b: {  	[sflag:s7] =	ssyncadd.s32 $0xFFFFC000  }
0x9c: {  	[tilespmem:s5], [sflag:$0x1] =	stream.indirect.gather [hbm4b:s3+s15], $0x40, s28, s15, $0xb8;
	[tilespmem:$0x10D00] =	vst v63  }
0x9d: {  	_ =	swait.ge [sflag:s18], $0x4000  }
0x9e: {  	[sflag:s18] =	ssyncset.done $0x0  }
0x9f: {  	s0 =	rddreg [dreg:$0x5];
	[sflag:s18] =	ssyncadd.s32 $0xFFFFC000  }
0xa0: {  	[hbm4b:s0+s2] =	stream.linear.scatter [tilespmem:s12], [sflag:$0x6], $0x4000, $0x38;
	[tilespmem:$0x10D00] =	vst v63  }
0xa1: {  	_ =	swait.ge [sflag:s17], $0x4000  }
0xa2: {  	[sflag:s17] =	ssyncset.done $0x0  }
0xa3: {  	[sflag:s17] =	ssyncadd.s32 $0xFFFFC000  }
0xa4: {  	[tilespmem:s12], [sflag:$0x2] =	stream.indirect.gather [hbm4b:s3+s15], $0x40, s26, s15, $0xb8;
	[tilespmem:$0x10D00] =	vst v63  }
0xa5: {  	_ =	swait.ge [sflag:s16], $0x4000  }
0xa6: {  	[sflag:s16] =	ssyncset.done $0x0  }
0xa7: {  	s0 =	rddreg [dreg:$0x6];
	[sflag:s16] =	ssyncadd.s32 $0xFFFFC000  }
0xa8: {  	[hbm4b:s0+s2] =	stream.linear.scatter [tilespmem:s10], [sflag:$0x7], $0x4000, $0x38;
	[tilespmem:$0x10D00] =	vst v63  }
0xa9: {  	_ =	swait.ge [sflag:s14], $0x4000  }
0xaa: {  	[sflag:s14] =	ssyncset.done $0x0  }
0xab: {  	[sflag:s14] =	ssyncadd.s32 $0xFFFFC000  }
0xac: {  	[tilespmem:s10], [sflag:$0x3] =	stream.indirect.gather [hbm4b:s3+s15], $0x40, s25, s15, $0xb8;
	[tilespmem:$0x10D00] =	vst v63  }
0xad: {  	_ =	swait.ge [sflag:s13], $0x4000  }
0xae: {  	[sflag:s13] =	ssyncset.done $0x0  }
0xaf: {  	s0 =	rddreg [dreg:$0x7];
	[sflag:s13] =	ssyncadd.s32 $0xFFFFC000  }
0xb0: {  	[hbm4b:s0+s2] =	stream.linear.scatter [tilespmem:s9], [sflag:$0x8], $0x4000, $0x38;
	[tilespmem:$0x10D00] =	vst v63  }
0xb1: {  	_ =	swait.ge [sflag:s11], $0x4000  }
0xb2: {  	[sflag:s11] =	ssyncset.done $0x0  }
0xb3: {  	[sflag:s11] =	ssyncadd.s32 $0xFFFFC000  }
0xb4: {  	[tilespmem:s9], [sflag:$0x4] =	stream.indirect.gather [hbm4b:s3+s15], $0x40, s24, s15, $0xb8;
	[tilespmem:$0x10D00] =	vst v63  }
0xb5: {  	_ =	swait.ge [sflag:s8], $0x4000  }
0xb6: {  	[sflag:s8] =	ssyncset.done $0x0  }
0xb7: {  	s0 =	rddreg [dreg:$0x8];
	[sflag:s8] =	ssyncadd.s32 $0xFFFFC000  }
0xb8: {  	[hbm4b:s0+s2] =	stream.linear.scatter [tilespmem:s5], [sflag:$0x5], $0x4000, $0x38;
	[tilespmem:$0x10D00] =	vst v63  }
0xb9: {  	_ =	swait.ge [sflag:s7], $0x4000  }
0xba: {  	[sflag:s7] =	ssyncset.done $0x0  }
0xbb: {  	[sflag:s7] =	ssyncadd.s32 $0xFFFFC000  }
0xbc: {  	[tilespmem:s5], [sflag:$0x1] =	stream.indirect.gather [hbm4b:s3+s15], $0x40, s23, s15, $0xb8;
	[tilespmem:$0x10D00] =	vst v63  }
0xbd: {  	_ =	swait.ge [sflag:s18], $0x4000  }
0xbe: {  	[sflag:s18] =	ssyncset.done $0x0  }
0xbf: {  	s0 =	rddreg [dreg:$0x9];
	[sflag:s18] =	ssyncadd.s32 $0xFFFFC000  }
0xc0: {  	[hbm4b:s0+s2] =	stream.linear.scatter [tilespmem:s12], [sflag:$0x6], $0x4000, $0x38;
	[tilespmem:$0x10D00] =	vst v63  }
0xc1: {  	_ =	swait.ge [sflag:s17], $0x4000  }
0xc2: {  	[sflag:s17] =	ssyncset.done $0x0  }
0xc3: {  	[sflag:s17] =	ssyncadd.s32 $0xFFFFC000  }
0xc4: {  	[tilespmem:s12], [sflag:$0x2] =	stream.indirect.gather [hbm4b:s3+s15], $0x40, s22, s15, $0xb8;
	[tilespmem:$0x10D00] =	vst v63  }
0xc5: {  	_ =	swait.ge [sflag:s16], $0x4000  }
0xc6: {  	[sflag:s16] =	ssyncset.done $0x0  }
0xc7: {  	s0 =	rddreg [dreg:$0xa];
	[sflag:s16] =	ssyncadd.s32 $0xFFFFC000  }
0xc8: {  	[hbm4b:s0+s2] =	stream.linear.scatter [tilespmem:s10], [sflag:$0x7], $0x4000, $0x38;
	[tilespmem:$0x10D00] =	vst v63  }
0xc9: {  	_ =	swait.ge [sflag:s14], $0x4000  }
0xca: {  	[sflag:s14] =	ssyncset.done $0x0  }
0xcb: {  	[sflag:s14] =	ssyncadd.s32 $0xFFFFC000  }
0xcc: {  	[tilespmem:s10], [sflag:$0x3] =	stream.indirect.gather [hbm4b:s3+s15], $0x40, s21, s15, $0xb8;
	[tilespmem:$0x10D00] =	vst v63  }
0xcd: {  	_ =	swait.ge [sflag:s13], $0x4000  }
0xce: {  	[sflag:s13] =	ssyncset.done $0x0  }
0xcf: {  	s0 =	rddreg [dreg:$0xb];
	[sflag:s13] =	ssyncadd.s32 $0xFFFFC000  }
0xd0: {  	[hbm4b:s0+s2] =	stream.linear.scatter [tilespmem:s9], [sflag:$0x8], $0x4000, $0x38;
	[tilespmem:$0x10D00] =	vst v63  }
0xd1: {  	_ =	swait.ge [sflag:s11], $0x4000  }
0xd2: {  	[sflag:s11] =	ssyncset.done $0x0  }
0xd3: {  	[sflag:s11] =	ssyncadd.s32 $0xFFFFC000  }
0xd4: {  	[tilespmem:s9], [sflag:$0x4] =	stream.indirect.gather [hbm4b:s3+s15], $0x40, s20, s15, $0xb8;
	[tilespmem:$0x10D00] =	vst v63  }
0xd5: {  	_ =	swait.ge [sflag:s8], $0x4000  }
0xd6: {  	[sflag:s8] =	ssyncset.done $0x0  }
0xd7: {  	s0 =	rddreg [dreg:$0xc];
	[sflag:s8] =	ssyncadd.s32 $0xFFFFC000  }
0xd8: {  	[hbm4b:s0+s2] =	stream.linear.scatter [tilespmem:s5], [sflag:$0x5], $0x4000, $0x38;
	[tilespmem:$0x10D00] =	vst v63  }
0xd9: {  	_ =	swait.ge [sflag:s7], $0x4000  }
0xda: {  	[sflag:s7] =	ssyncset.done $0x0  }
0xdb: {  	[sflag:s7] =	ssyncadd.s32 $0xFFFFC000  }
0xdc: {  	[tilespmem:s5], [sflag:$0x1] =	stream.indirect.gather [hbm4b:s3+s15], $0x40, s19, s15, $0xb8;
	[tilespmem:$0x10D00] =	vst v63  }
0xdd: {  	_ =	swait.ge [sflag:s18], $0x4000  }
0xde: {  	[sflag:s18] =	ssyncset.done $0x0  }
0xdf: {  	s0 =	rddreg [dreg:$0xd];
	[sflag:s18] =	ssyncadd.s32 $0xFFFFC000  }
0xe0: {  	[hbm4b:s0+s2] =	stream.linear.scatter [tilespmem:s12], [sflag:$0x6], $0x4000, $0x38;
	[tilespmem:$0x10D00] =	vst v63  }
0xe1: {  	_ =	swait.ge [sflag:s17], $0x4000  }
0xe2: {  	[sflag:s17] =	ssyncset.done $0x0  }
0xe3: {  	[sflag:s17] =	ssyncadd.s32 $0xFFFFC000  }
0xe4: {  	_ =	swait.ge [sflag:s16], $0x4000  }
0xe5: {  	[sflag:s16] =	ssyncset.done $0x0  }
0xe6: {  	s0 =	rddreg [dreg:$0xe];
	[sflag:s16] =	ssyncadd.s32 $0xFFFFC000  }
0xe7: {  	[hbm4b:s0+s2] =	stream.linear.scatter [tilespmem:s10], [sflag:$0x7], $0x4000, $0x38;
	[tilespmem:$0x10D00] =	vst v63  }
0xe8: {  	_ =	swait.ge [sflag:s14], $0x4000  }
0xe9: {  	[sflag:s14] =	ssyncset.done $0x0  }
0xea: {  	[sflag:s14] =	ssyncadd.s32 $0xFFFFC000  }
0xeb: {  	_ =	swait.ge [sflag:s13], $0x4000  }
0xec: {  	[sflag:s13] =	ssyncset.done $0x0  }
0xed: {  	[sflag:s13] =	ssyncadd.s32 $0xFFFFC000  }
0xee: {  	[hbm4b:s6+s2] =	stream.linear.scatter [tilespmem:s9], [sflag:$0x8], $0x4000, $0x38;
	[tilespmem:$0x10D00] =	vst v63  }
0xef: {  	_ =	swait.ge [sflag:s11], $0x4000  }
0xf0: {  	[sflag:s11] =	ssyncset.done $0x0  }
0xf1: {  	[sflag:s11] =	ssyncadd.s32 $0xFFFFC000  }
0xf2: {  	p1 =	sne.s32 s1, $0x1;
	_ =	swait.ge [sflag:s8], $0x4000  }
.Ltmp2:
0xf3: {  	[sflag:s8] =	ssyncset.done $0x0;
	(pc) =	sbr.rel @p1 .LBB2_2-.Ltmp2, $4  }
0xf4: {  	[sflag:s8] =	ssyncadd.s32 $0xFFFFC000  }
0xf5: {  	[hbm4b:s4+s2] =	stream.linear.scatter [tilespmem:s5], [sflag:$0x5], $0x4000, $0x38;
	[tilespmem:$0x10D00] =	vst v63  }
0xf6: {  	_ =	swait.ge [sflag:s7], $0x4000  }
0xf7: {  	s1 =	sadd.s32 $0xFFFFFFFF, s1;
	s0 =	rddreg [dreg:$0x3];
	[sflag:s7] =	ssyncset.done $0x0  }
.LBB2_3:
0xf8: {  	[sflag:s7] =	ssyncadd.s32 @p0 $0xFFFFC000  }
0xf9: {  	[tilespmem:s2], [sflag:$0x9] =	stream.linear.gather [hbm4b:s0+s2], $0xD00, $0x38;
	[tilespmem:$0x10D00] =	vst v63  }
0xfa: {  	_ =	swait.ge [sflag:s29], $0xD00  }
0xfb: {  	[sflag:s29] =	ssyncset.done $0x0  }
0xfc: {  	[sflag:s29] =	ssyncadd.s32 $0xFFFFF300  }
0xfd: {  	[tilespmem:s5], [sflag:$0x1] =	stream.indirect.gather [hbm4b:s3+s15], $0x40, s2, s15, $0xb8;
	[tilespmem:$0x10D00] =	vst v63  }
0xfe: {  	_ = 	snop  }
0xff: {  	[tilespmem:s12], [sflag:$0x2] =	stream.indirect.gather [hbm4b:s3+s15], $0x40, s15, s15, $0xb8;
	[tilespmem:$0x10D00] =	vst v63  }
0x100: {  	_ = 	snop  }
0x101: {  	[tilespmem:s10], [sflag:$0x3] =	stream.indirect.gather [hbm4b:s3+s15], $0x40, s30, s15, $0xb8;
	[tilespmem:$0x10D00] =	vst v63  }
0x102: {  	_ = 	snop  }
0x103: {  	[tilespmem:s9], [sflag:$0x4] =	stream.indirect.gather [hbm4b:s3+s15], $0x40, s31, s15, $0xb8;
	[tilespmem:$0x10D00] =	vst v63  }
0x104: {  	_ =	swait.ge [sflag:s8], $0x4000  }
0x105: {  	[sflag:s8] =	ssyncset.done $0x0  }
0x106: {  	s1 =	rddreg [dreg:$0x4];
	[sflag:s8] =	ssyncadd.s32 $0xFFFFC000  }
0x107: {  	[hbm4b:s1+s2] =	stream.linear.scatter [tilespmem:s5], [sflag:$0x5], $0x4000, $0x38;
	[tilespmem:$0x10D00] =	vst v63  }
0x108: {  	_ =	swait.ge [sflag:s7], $0x4000  }
0x109: {  	[sflag:s7] =	ssyncset.done $0x0  }
0x10a: {  	[sflag:s7] =	ssyncadd.s32 $0xFFFFC000  }
0x10b: {  	[tilespmem:s5], [sflag:$0x1] =	stream.indirect.gather [hbm4b:s3+s15], $0x40, s28, s15, $0xb8;
	[tilespmem:$0x10D00] =	vst v63  }
0x10c: {  	_ =	swait.ge [sflag:s18], $0x4000  }
0x10d: {  	[sflag:s18] =	ssyncset.done $0x0  }
0x10e: {  	s29 =	rddreg [dreg:$0x5];
	[sflag:s18] =	ssyncadd.s32 $0xFFFFC000  }
0x10f: {  	[hbm4b:s29+s2] =	stream.linear.scatter [tilespmem:s12], [sflag:$0x6], $0x4000, $0x38;
	[tilespmem:$0x10D00] =	vst v63  }
0x110: {  	_ =	swait.ge [sflag:s17], $0x4000  }
0x111: {  	[sflag:s17] =	ssyncset.done $0x0  }
0x112: {  	[sflag:s17] =	ssyncadd.s32 $0xFFFFC000  }
0x113: {  	[tilespmem:s12], [sflag:$0x2] =	stream.indirect.gather [hbm4b:s3+s15], $0x40, s26, s15, $0xb8;
	[tilespmem:$0x10D00] =	vst v63  }
0x114: {  	_ =	swait.ge [sflag:s16], $0x4000  }
0x115: {  	[sflag:s16] =	ssyncset.done $0x0  }
0x116: {  	s30 =	rddreg [dreg:$0x6];
	[sflag:s16] =	ssyncadd.s32 $0xFFFFC000  }
0x117: {  	[hbm4b:s30+s2] =	stream.linear.scatter [tilespmem:s10], [sflag:$0x7], $0x4000, $0x38;
	[tilespmem:$0x10D00] =	vst v63  }
0x118: {  	_ =	swait.ge [sflag:s14], $0x4000  }
0x119: {  	[sflag:s14] =	ssyncset.done $0x0  }
0x11a: {  	[sflag:s14] =	ssyncadd.s32 $0xFFFFC000  }
0x11b: {  	[tilespmem:s10], [sflag:$0x3] =	stream.indirect.gather [hbm4b:s3+s15], $0x40, s25, s15, $0xb8;
	[tilespmem:$0x10D00] =	vst v63  }
0x11c: {  	_ =	swait.ge [sflag:s13], $0x4000  }
0x11d: {  	[sflag:s13] =	ssyncset.done $0x0  }
0x11e: {  	s31 =	rddreg [dreg:$0x7];
	[sflag:s13] =	ssyncadd.s32 $0xFFFFC000  }
0x11f: {  	[hbm4b:s31+s2] =	stream.linear.scatter [tilespmem:s9], [sflag:$0x8], $0x4000, $0x38;
	[tilespmem:$0x10D00] =	vst v63  }
0x120: {  	_ =	swait.ge [sflag:s11], $0x4000  }
0x121: {  	[sflag:s11] =	ssyncset.done $0x0  }
0x122: {  	[sflag:s11] =	ssyncadd.s32 $0xFFFFC000  }
0x123: {  	[tilespmem:s9], [sflag:$0x4] =	stream.indirect.gather [hbm4b:s3+s15], $0x40, s24, s15, $0xb8;
	[tilespmem:$0x10D00] =	vst v63  }
0x124: {  	_ =	swait.ge [sflag:s8], $0x4000  }
0x125: {  	[sflag:s8] =	ssyncset.done $0x0  }
0x126: {  	s1 =	rddreg [dreg:$0x8];
	[sflag:s8] =	ssyncadd.s32 $0xFFFFC000  }
0x127: {  	[hbm4b:s1+s2] =	stream.linear.scatter [tilespmem:s5], [sflag:$0x5], $0x4000, $0x38;
	[tilespmem:$0x10D00] =	vst v63  }
0x128: {  	_ =	swait.ge [sflag:s7], $0x4000  }
0x129: {  	[sflag:s7] =	ssyncset.done $0x0  }
0x12a: {  	[sflag:s7] =	ssyncadd.s32 $0xFFFFC000  }
0x12b: {  	[tilespmem:s5], [sflag:$0x1] =	stream.indirect.gather [hbm4b:s3+s15], $0x40, s23, s15, $0xb8;
	[tilespmem:$0x10D00] =	vst v63  }
0x12c: {  	_ =	swait.ge [sflag:s18], $0x4000  }
0x12d: {  	[sflag:s18] =	ssyncset.done $0x0  }
0x12e: {  	s24 =	rddreg [dreg:$0x9];
	[sflag:s18] =	ssyncadd.s32 $0xFFFFC000  }
0x12f: {  	[hbm4b:s24+s2] =	stream.linear.scatter [tilespmem:s12], [sflag:$0x6], $0x4000, $0x38;
	[tilespmem:$0x10D00] =	vst v63  }
0x130: {  	_ =	swait.ge [sflag:s17], $0x4000  }
0x131: {  	[sflag:s17] =	ssyncset.done $0x0  }
0x132: {  	[sflag:s17] =	ssyncadd.s32 $0xFFFFC000  }
0x133: {  	[tilespmem:s12], [sflag:$0x2] =	stream.indirect.gather [hbm4b:s3+s15], $0x40, s22, s15, $0xb8;
	[tilespmem:$0x10D00] =	vst v63  }
0x134: {  	_ =	swait.ge [sflag:s16], $0x4000  }
0x135: {  	[sflag:s16] =	ssyncset.done $0x0  }
0x136: {  	s25 =	rddreg [dreg:$0xa];
	[sflag:s16] =	ssyncadd.s32 $0xFFFFC000  }
0x137: {  	[hbm4b:s25+s2] =	stream.linear.scatter [tilespmem:s10], [sflag:$0x7], $0x4000, $0x38;
	[tilespmem:$0x10D00] =	vst v63  }
0x138: {  	_ =	swait.ge [sflag:s14], $0x4000  }
0x139: {  	[sflag:s14] =	ssyncset.done $0x0  }
0x13a: {  	[sflag:s14] =	ssyncadd.s32 $0xFFFFC000  }
0x13b: {  	[tilespmem:s10], [sflag:$0x3] =	stream.indirect.gather [hbm4b:s3+s15], $0x40, s21, s15, $0xb8;
	[tilespmem:$0x10D00] =	vst v63  }
0x13c: {  	_ =	swait.ge [sflag:s13], $0x4000  }
0x13d: {  	[sflag:s13] =	ssyncset.done $0x0  }
0x13e: {  	s26 =	rddreg [dreg:$0xb];
	[sflag:s13] =	ssyncadd.s32 $0xFFFFC000  }
0x13f: {  	[hbm4b:s26+s2] =	stream.linear.scatter [tilespmem:s9], [sflag:$0x8], $0x4000, $0x38;
	[tilespmem:$0x10D00] =	vst v63  }
0x140: {  	_ =	swait.ge [sflag:s11], $0x4000  }
0x141: {  	[sflag:s11] =	ssyncset.done $0x0  }
0x142: {  	[sflag:s11] =	ssyncadd.s32 $0xFFFFC000  }
0x143: {  	[tilespmem:s9], [sflag:$0x4] =	stream.indirect.gather [hbm4b:s3+s15], $0x40, s20, s15, $0xb8;
	[tilespmem:$0x10D00] =	vst v63  }
0x144: {  	_ =	swait.ge [sflag:s8], $0x4000  }
0x145: {  	[sflag:s8] =	ssyncset.done $0x0  }
0x146: {  	s28 =	rddreg [dreg:$0xc];
	[sflag:s8] =	ssyncadd.s32 $0xFFFFC000  }
0x147: {  	[hbm4b:s28+s2] =	stream.linear.scatter [tilespmem:s5], [sflag:$0x5], $0x4000, $0x38;
	[tilespmem:$0x10D00] =	vst v63  }
0x148: {  	_ =	swait.ge [sflag:s7], $0x4000  }
0x149: {  	[sflag:s7] =	ssyncset.done $0x0  }
0x14a: {  	[sflag:s7] =	ssyncadd.s32 $0xFFFFC000  }
0x14b: {  	[tilespmem:s5], [sflag:$0x1] =	stream.indirect.gather [hbm4b:s3+s15], $0x40, s19, s15, $0xb8;
	[tilespmem:$0x10D00] =	vst v63  }
0x14c: {  	_ =	swait.ge [sflag:s18], $0x4000  }
0x14d: {  	[sflag:s18] =	ssyncset.done $0x0  }
0x14e: {  	s29 =	rddreg [dreg:$0xd];
	[sflag:s18] =	ssyncadd.s32 $0xFFFFC000  }
0x14f: {  	[hbm4b:s29+s2] =	stream.linear.scatter [tilespmem:s12], [sflag:$0x6], $0x4000, $0x38;
	[tilespmem:$0x10D00] =	vst v63  }
0x150: {  	_ =	swait.ge [sflag:s17], $0x4000  }
0x151: {  	[sflag:s17] =	ssyncset.done $0x0  }
0x152: {  	[sflag:s17] =	ssyncadd.s32 $0xFFFFC000  }
0x153: {  	_ =	swait.ge [sflag:s16], $0x4000  }
0x154: {  	[sflag:s16] =	ssyncset.done $0x0  }
0x155: {  	s30 =	rddreg [dreg:$0xe];
	[sflag:s16] =	ssyncadd.s32 $0xFFFFC000  }
0x156: {  	[hbm4b:s30+s2] =	stream.linear.scatter [tilespmem:s10], [sflag:$0x7], $0x4000, $0x38;
	[tilespmem:$0x10D00] =	vst v63  }
0x157: {  	_ =	swait.ge [sflag:s14], $0x4000  }
0x158: {  	[sflag:s14] =	ssyncset.done $0x0  }
0x159: {  	[sflag:s14] =	ssyncadd.s32 $0xFFFFC000  }
0x15a: {  	_ =	swait.ge [sflag:s13], $0x4000  }
0x15b: {  	[sflag:s13] =	ssyncset.done $0x0  }
0x15c: {  	[sflag:s13] =	ssyncadd.s32 $0xFFFFC000  }
0x15d: {  	[hbm4b:s6+s2] =	stream.linear.scatter [tilespmem:s9], [sflag:$0x8], $0x4000, $0x38;
	[tilespmem:$0x10D00] =	vst v63  }
0x15e: {  	_ =	swait.ge [sflag:s11], $0x4000  }
0x15f: {  	[sflag:s11] =	ssyncset.done $0x0  }
0x160: {  	[sflag:s11] =	ssyncadd.s32 $0xFFFFC000  }
0x161: {  	_ =	swait.ge [sflag:s8], $0x4000  }
0x162: {  	[sflag:s8] =	ssyncset.done $0x0  }
0x163: {  	[sflag:s8] =	ssyncadd.s32 $0xFFFFC000  }
0x164: {  	[hbm4b:s4+s2] =	stream.linear.scatter [tilespmem:s5], [sflag:$0x5], $0x4000, $0x38;
	[tilespmem:$0x10D00] =	vst v63  }
0x165: {  	_ =	swait.ge [sflag:s7], $0x4000  }
0x166: {  	[sflag:s7] =	ssyncset.done $0x0  }
0x167: {  	[sflag:s7] =	ssyncadd.s32 $0xFFFFC000  }
0x168: {  	_ =	sfence.sel $0x180000  }
0x169: {  	[bflag:$0x0] =	sbarrier.arrive $0xFFFF  }
0x16a: {  	_ =	strace $0x90000047  }
0x16b: {  	s31 =	stileid.u32;
	[bflag:$0x2] =	sbarrier.arrive $0xFFFF  }
0x16c: {  	p0 =	sne.s32 s31, $0x0;
	s0 =	rddreg [dreg:$0x2]  }
0x16d: {  	s0 =	sadd.s32 @!p0 $0x100000, s0  }
0x16e: {  	[sflag:s0] =	ssyncadd.tile.s32 @!p0 $0x1;
	_ =	shalt  }
.Lfunc_end2:
_tile_overlayer_lowered:
.L_overlay_start_2:
0x16f: {  	(tag) =	ssettag $0x2  }
0x170: {  	s0 =	rddreg [dreg:$0x0];
	s2 =	stileid.u32  }
0x171: {  	s1 =	rddreg [dreg:$0x1];
	p0 =	sne.s32 s2, $0x0  }
0x172: {  	s3 =	rddreg [dreg:$0x2];
	[bflag:$0x3] =	sbarrier.arrive $0xFFFF;
	s2 =	simm.s32 @!p0 $0x1C09  }
0x173: {  	[timem:s3], [sflag:s2] =	dma.local @!p0 [hbm:s0], s1  }
0x174: {  	s0 =	simm.s32 @!p0 $0x9  }
0x175: {  	_ =	swait.ge @!p0 [sflag:s0], s1  }
0x176: {  	s1 =	ssub.s32 @!p0 $0x0, s1;
	[sflag:s0] =	ssyncset.done @!p0 $0x0  }
0x177: {  	[sflag:s0] =	ssyncadd.s32 @!p0 s1  }
0x178: {  	[bflag:$0x3] =	sbarrier.arrive $0xFFFF  }
0x179: {  	_ =	shalt  }

</sc_bundles>
